<compile_context>
chip_gen: v7x
topology: tpu7x:2x2x1
jax: 0.10.2.dev20260603
libtpu: 0.0.44.dev20260713+nightly
codegen_flags: <defaults>
</compile_context>

<pallas_src>
import functools

import jax
import jax.numpy as jnp
from jax import lax
from jax.experimental import pallas as pl
from jax.experimental.pallas import tpu as pltpu
from jax.experimental.pallas import tpu_sc as plsc

F, N, D, K = 8, 4096, 64, 1024
NB = 512
NBLK = N // NB
CHK = 128
NCHK = K // CHK
BETA = 0.25

NC, NS = 2, 32 // 2
NW = NC * NS
BPW = (F * N) // NW
CHUNK = 128
NCHUNK = BPW // CHUNK


def _tc_body(x_ref, w2_ref, wsq_ref, kio_ref, idx_ref, loss_ref, acc_ref):
    f = pl.program_id(0)
    nb = pl.program_id(1)

    x = x_ref[...]
    xsq = jnp.sum(x * x, axis=1, keepdims=True)

    run = None
    for j in range(NCHK):
        sl = pl.ds(j * CHK, CHK)
        s2j = lax.dot_general(x, w2_ref[:, sl], (((1,), (0,)), ((), ())),
                              preferred_element_type=jnp.float32)
        dj = (xsq - s2j) + wsq_ref[:, sl]
        kj = kio_ref[:, sl]
        if run is None:
            run = dj
            kv = jnp.broadcast_to(kj, dj.shape)
        else:
            kv = jnp.where(dj < run, kj, kv)
            run = jnp.minimum(dj, run)

    minval = jnp.min(run, axis=1, keepdims=True)
    idxf = jnp.min(jnp.where(run == minval, kv, float(2 * K)), axis=1)
    idx_ref[...] = idxf.astype(jnp.int32) + f * K

    @pl.when(jnp.logical_and(f == 0, nb == 0))
    def _init():
        acc_ref[0] = 0.0

    acc_ref[0] += jnp.sum(minval)

    @pl.when(jnp.logical_and(f == F - 1, nb == NBLK - 1))
    def _fin():
        loss_ref[0] = acc_ref[0] * ((1.0 + BETA) / (F * N * D))


def _tc_call(inputs, W2, wsq, kio):
    return pl.pallas_call(
        _tc_body,
        grid=(F, NBLK),
        in_specs=[
            pl.BlockSpec((None, NB, D), lambda f, nb: (f, nb, 0)),
            pl.BlockSpec((None, D, K), lambda f, nb: (f, 0, 0)),
            pl.BlockSpec((None, 1, K), lambda f, nb: (f, 0, 0)),
            pl.BlockSpec((1, K), lambda f, nb: (0, 0)),
        ],
        out_specs=[
            pl.BlockSpec((NB,), lambda f, nb: (f * NBLK + nb,)),
            pl.BlockSpec(memory_space=pltpu.SMEM),
        ],
        out_shape=[
            jax.ShapeDtypeStruct((F * N,), jnp.int32),
            jax.ShapeDtypeStruct((1,), jnp.float32),
        ],
        scratch_shapes=[pltpu.SMEM((1,), jnp.float32)],
    )(inputs, W2, wsq, kio)


@functools.cache
def _sc_gather_fn():
    mesh = plsc.VectorSubcoreMesh(core_axis_name="c", subcore_axis_name="s")

    @functools.partial(
        pl.kernel,
        mesh=mesh,
        compiler_params=pltpu.CompilerParams(use_tc_tiling_on_sc=False),
        out_type=jax.ShapeDtypeStruct((F * N, D), jnp.float32),
        scratch_types=[
            pltpu.VMEM((NCHUNK, CHUNK), jnp.int32),
            pltpu.VMEM((BPW, D), jnp.float32),
            pltpu.SemaphoreType.DMA,
            pltpu.SemaphoreType.DMA,
        ],
    )
    def _sc_gather(table_hbm, idx_hbm, out_hbm, idx_v, rows_v, gsem, osem):
        wid = lax.axis_index("s") * NC + lax.axis_index("c")
        pltpu.sync_copy(idx_hbm.at[pl.ds(wid * NCHUNK, NCHUNK)], idx_v)
        gathers = [
            pltpu.async_copy(table_hbm.at[idx_v.at[j]],
                             rows_v.at[pl.ds(j * CHUNK, CHUNK)], gsem)
            for j in range(NCHUNK)
        ]
        outs = []
        for j in range(NCHUNK):
            gathers[j].wait()
            outs.append(pltpu.async_copy(
                rows_v.at[pl.ds(j * CHUNK, CHUNK)],
                out_hbm.at[pl.ds(wid * BPW + j * CHUNK, CHUNK)], osem))
        for c in outs:
            c.wait()

    return _sc_gather


def kernel(inputs, W):
    W2 = W + W
    wsq = jnp.sum(W ** 2, axis=1, keepdims=True)
    kio = jnp.arange(K, dtype=jnp.float32).reshape(1, K)
    idx_flat, loss_arr = _tc_call(inputs, W2, wsq, kio)
    table = jnp.transpose(W, (0, 2, 1)).reshape(F * K, D)
    out = _sc_gather_fn()(table, idx_flat.reshape(NW * NCHUNK, CHUNK))
    return out.reshape(F, N, D), loss_arr[0]

# --- scband reference (transcript-rebuilt; emitter-appended) ---
"""Pipeline reference for scband-vector-quantizer-25993142075529 (READ-ONLY COPY).

The authoritative reference and input builder live on the scoring server;
editing this copy changes nothing except your own understanding.
"""

import jax, jax.numpy as jnp
import numpy as np

F, N, D, K = 8, 4096, 64, 1024
BETA = 0.25

def setup_inputs(seed: int = 0) -> dict:
    key = jax.random.key(seed)
    k1, k2 = jax.random.split(key)
    inputs = jax.random.normal(k1, (F, N, D), dtype=jnp.float32)
    limit = float(np.sqrt(6.0 / (D + K)))
    W = jax.random.uniform(k2, (F, D, K), dtype=jnp.float32, minval=-limit, maxval=limit)
    return {"inputs": inputs, "W": W}

def reference(inputs, W):
    # distances: [F, N, K]
    distances = (jnp.sum(inputs ** 2, axis=2, keepdims=True)
                 - 2.0 * jnp.einsum('fnd,fdk->fnk', inputs, W)
                 + jnp.sum(W ** 2, axis=1, keepdims=True))
    enc_idx = jnp.argmin(distances, axis=2)  # [F, N]
    wT = jnp.transpose(W, (0, 2, 1))  # [F, K, D]
    quantized = jnp.take_along_axis(wT, enc_idx[:, :, None], axis=1)  # [F, N, D]
    e_latent_loss = jnp.mean((jax.lax.stop_gradient(quantized) - inputs) ** 2)
    q_latent_loss = jnp.mean((quantized - jax.lax.stop_gradient(inputs)) ** 2)
    loss = q_latent_loss + BETA * e_latent_loss
    output = inputs + jax.lax.stop_gradient(quantized - inputs)
    return output, loss

if __name__ == "__main__":
    import jax
    _d = setup_inputs()
    print(jax.jit(kernel)(*tuple(_d.values())))

</pallas_src>

<mosaic_0001>
#map = affine_map<(d0, d1) -> (0, 0)>
module attributes {stable_mosaic.version = 14 : i64} {
  func.func @_sc_gather(%arg0: i32, %arg1: i32, %arg2: memref<8192x64xf32, #tpu.memory_space<hbm>>, %arg3: memref<256x128xi32, #tpu.memory_space<hbm>>, %arg4: memref<32768x64xf32, #tpu.memory_space<hbm>>, %arg5: memref<8x128xi32, #tpu.memory_space<vmem>>, %arg6: memref<1024x64xf32, #tpu.memory_space<vmem>>, %arg7: memref<!tpu.dma_semaphore, #tpu.memory_space<semaphore_mem>>, %arg8: memref<!tpu.dma_semaphore, #tpu.memory_space<semaphore_mem>>) attributes {dimension_semantics = [#tpu.dimension_semantics<core_parallel>, #tpu.dimension_semantics<subcore_parallel>], iteration_bounds = array<i64: 2, 16>, scalar_prefetch = 0 : i64, scratch_operands = 4 : i64, tpu.core_type = #tpu.core_type<sc_vector_subcore>, window_params = [{transform_indices = #map}, {transform_indices = #map}, {transform_indices = #map}]} {
    %mul3A = arith.constant 2 : i32
    %mul3A_0 = arith.muli %arg1, %mul3A : i32
    %add3A = arith.addi %mul3A_0, %arg0 : i32
    %mul3A_1 = arith.constant 8 : i32
    %mul3A_2 = arith.muli %add3A, %mul3A_1 : i32
    "tpu.region"() ({
      %run_scoped3A = tpu.sem_alloc : memref<!tpu.dma_semaphore, #tpu.memory_space<semaphore_mem>>
      %dma_start3A_353 = arith.constant 0 : i32
      %dma_start3A_354 = tpu.memref_slice %arg3[%mul3A_2, %dma_start3A_353] : memref<256x128xi32, #tpu.memory_space<hbm>> -> memref<8x128xi32, #tpu.memory_space<hbm>>
      %dma_start3A_355 = arith.constant 0 : i32
      %dma_start3A_356 = tpu.memref_slice %arg3[%mul3A_2, %dma_start3A_355] : memref<256x128xi32, #tpu.memory_space<hbm>> -> memref<8x128xi32, #tpu.memory_space<hbm>>
      tpu.enqueue_dma source(%dma_start3A_356 : memref<8x128xi32, #tpu.memory_space<hbm>>) target(%arg5 : memref<8x128xi32, #tpu.memory_space<vmem>>) target_semaphore(%run_scoped3A : memref<!tpu.dma_semaphore, #tpu.memory_space<semaphore_mem>>)
      %dma_wait3A_357 = arith.constant 0 : i32
      %dma_wait3A_358 = tpu.memref_slice %arg3[%mul3A_2, %dma_wait3A_357] : memref<256x128xi32, #tpu.memory_space<hbm>> -> memref<8x128xi32, #tpu.memory_space<hbm>>
      %dma_wait3A_359 = arith.constant 0 : i32
      %dma_wait3A_360 = tpu.memref_slice %arg3[%mul3A_2, %dma_wait3A_359] : memref<256x128xi32, #tpu.memory_space<hbm>> -> memref<8x128xi32, #tpu.memory_space<hbm>>
      tpu.wait_dma2 semaphore(%run_scoped3A : memref<!tpu.dma_semaphore, #tpu.memory_space<semaphore_mem>>) src(%dma_wait3A_360 : memref<8x128xi32, #tpu.memory_space<hbm>>) dst(%arg5 : memref<8x128xi32, #tpu.memory_space<vmem>>)
      tpu.yield
    }) : () -> ()
    %dma_start3A = arith.constant 0 : i32
    %dma_start3A_3 = arith.constant 0 : i32
    %dma_start3A_4 = arith.constant 0 : i32
    %dma_start3A_5 = tpu.memref_slice %arg6[%dma_start3A_3, %dma_start3A_4] : memref<1024x64xf32, #tpu.memory_space<vmem>> -> memref<128x64xf32, #tpu.memory_space<vmem>>
    %dma_start3A_6 = arith.constant 0 : i32
    %dma_start3A_7 = tpu.memref_slice %arg5[%dma_start3A, %dma_start3A_6] : memref<8x128xi32, #tpu.memory_space<vmem>> -> memref<1x128xi32, #tpu.memory_space<vmem>>
    %dma_start3A_8 = tpu.memref_squeeze %dma_start3A_7 : memref<1x128xi32, #tpu.memory_space<vmem>> -> memref<128xi32, #tpu.memory_space<vmem>>
    %dma_start3A_9 = arith.constant 0 : i32
    %dma_start3A_10 = arith.constant 0 : i32
    %dma_start3A_11 = tpu.memref_slice %arg2[%dma_start3A_9, %dma_start3A_10] : memref<8192x64xf32, #tpu.memory_space<hbm>> -> memref<8192x64xf32, #tpu.memory_space<hbm>>
    tpu.enqueue_indirect_dma source(%dma_start3A_11 : memref<8192x64xf32, #tpu.memory_space<hbm>>) target(%dma_start3A_5 : memref<128x64xf32, #tpu.memory_space<vmem>>) offsets(%dma_start3A_8 : memref<128xi32, #tpu.memory_space<vmem>>) semaphore(%arg7 : memref<!tpu.dma_semaphore, #tpu.memory_space<semaphore_mem>>)
    %dma_start3A_12 = arith.constant 1 : i32
    %dma_start3A_13 = arith.constant 128 : i32
    %dma_start3A_14 = arith.constant 0 : i32
    %dma_start3A_15 = tpu.memref_slice %arg6[%dma_start3A_13, %dma_start3A_14] : memref<1024x64xf32, #tpu.memory_space<vmem>> -> memref<128x64xf32, #tpu.memory_space<vmem>>
    %dma_start3A_16 = arith.constant 0 : i32
    %dma_start3A_17 = tpu.memref_slice %arg5[%dma_start3A_12, %dma_start3A_16] : memref<8x128xi32, #tpu.memory_space<vmem>> -> memref<1x128xi32, #tpu.memory_space<vmem>>
    %dma_start3A_18 = tpu.memref_squeeze %dma_start3A_17 : memref<1x128xi32, #tpu.memory_space<vmem>> -> memref<128xi32, #tpu.memory_space<vmem>>
    %dma_start3A_19 = arith.constant 0 : i32
    %dma_start3A_20 = arith.constant 0 : i32
    %dma_start3A_21 = tpu.memref_slice %arg2[%dma_start3A_19, %dma_start3A_20] : memref<8192x64xf32, #tpu.memory_space<hbm>> -> memref<8192x64xf32, #tpu.memory_space<hbm>>
    tpu.enqueue_indirect_dma source(%dma_start3A_21 : memref<8192x64xf32, #tpu.memory_space<hbm>>) target(%dma_start3A_15 : memref<128x64xf32, #tpu.memory_space<vmem>>) offsets(%dma_start3A_18 : memref<128xi32, #tpu.memory_space<vmem>>) semaphore(%arg7 : memref<!tpu.dma_semaphore, #tpu.memory_space<semaphore_mem>>)
    %dma_start3A_22 = arith.constant 2 : i32
    %dma_start3A_23 = arith.constant 256 : i32
    %dma_start3A_24 = arith.constant 0 : i32
    %dma_start3A_25 = tpu.memref_slice %arg6[%dma_start3A_23, %dma_start3A_24] : memref<1024x64xf32, #tpu.memory_space<vmem>> -> memref<128x64xf32, #tpu.memory_space<vmem>>
    %dma_start3A_26 = arith.constant 0 : i32
    %dma_start3A_27 = tpu.memref_slice %arg5[%dma_start3A_22, %dma_start3A_26] : memref<8x128xi32, #tpu.memory_space<vmem>> -> memref<1x128xi32, #tpu.memory_space<vmem>>
    %dma_start3A_28 = tpu.memref_squeeze %dma_start3A_27 : memref<1x128xi32, #tpu.memory_space<vmem>> -> memref<128xi32, #tpu.memory_space<vmem>>
    %dma_start3A_29 = arith.constant 0 : i32
    %dma_start3A_30 = arith.constant 0 : i32
    %dma_start3A_31 = tpu.memref_slice %arg2[%dma_start3A_29, %dma_start3A_30] : memref<8192x64xf32, #tpu.memory_space<hbm>> -> memref<8192x64xf32, #tpu.memory_space<hbm>>
    tpu.enqueue_indirect_dma source(%dma_start3A_31 : memref<8192x64xf32, #tpu.memory_space<hbm>>) target(%dma_start3A_25 : memref<128x64xf32, #tpu.memory_space<vmem>>) offsets(%dma_start3A_28 : memref<128xi32, #tpu.memory_space<vmem>>) semaphore(%arg7 : memref<!tpu.dma_semaphore, #tpu.memory_space<semaphore_mem>>)
    %dma_start3A_32 = arith.constant 3 : i32
    %dma_start3A_33 = arith.constant 384 : i32
    %dma_start3A_34 = arith.constant 0 : i32
    %dma_start3A_35 = tpu.memref_slice %arg6[%dma_start3A_33, %dma_start3A_34] : memref<1024x64xf32, #tpu.memory_space<vmem>> -> memref<128x64xf32, #tpu.memory_space<vmem>>
    %dma_start3A_36 = arith.constant 0 : i32
    %dma_start3A_37 = tpu.memref_slice %arg5[%dma_start3A_32, %dma_start3A_36] : memref<8x128xi32, #tpu.memory_space<vmem>> -> memref<1x128xi32, #tpu.memory_space<vmem>>
    %dma_start3A_38 = tpu.memref_squeeze %dma_start3A_37 : memref<1x128xi32, #tpu.memory_space<vmem>> -> memref<128xi32, #tpu.memory_space<vmem>>
    %dma_start3A_39 = arith.constant 0 : i32
    %dma_start3A_40 = arith.constant 0 : i32
    %dma_start3A_41 = tpu.memref_slice %arg2[%dma_start3A_39, %dma_start3A_40] : memref<8192x64xf32, #tpu.memory_space<hbm>> -> memref<8192x64xf32, #tpu.memory_space<hbm>>
    tpu.enqueue_indirect_dma source(%dma_start3A_41 : memref<8192x64xf32, #tpu.memory_space<hbm>>) target(%dma_start3A_35 : memref<128x64xf32, #tpu.memory_space<vmem>>) offsets(%dma_start3A_38 : memref<128xi32, #tpu.memory_space<vmem>>) semaphore(%arg7 : memref<!tpu.dma_semaphore, #tpu.memory_space<semaphore_mem>>)
    %dma_start3A_42 = arith.constant 4 : i32
    %dma_start3A_43 = arith.constant 512 : i32
    %dma_start3A_44 = arith.constant 0 : i32
    %dma_start3A_45 = tpu.memref_slice %arg6[%dma_start3A_43, %dma_start3A_44] : memref<1024x64xf32, #tpu.memory_space<vmem>> -> memref<128x64xf32, #tpu.memory_space<vmem>>
    %dma_start3A_46 = arith.constant 0 : i32
    %dma_start3A_47 = tpu.memref_slice %arg5[%dma_start3A_42, %dma_start3A_46] : memref<8x128xi32, #tpu.memory_space<vmem>> -> memref<1x128xi32, #tpu.memory_space<vmem>>
    %dma_start3A_48 = tpu.memref_squeeze %dma_start3A_47 : memref<1x128xi32, #tpu.memory_space<vmem>> -> memref<128xi32, #tpu.memory_space<vmem>>
    %dma_start3A_49 = arith.constant 0 : i32
    %dma_start3A_50 = arith.constant 0 : i32
    %dma_start3A_51 = tpu.memref_slice %arg2[%dma_start3A_49, %dma_start3A_50] : memref<8192x64xf32, #tpu.memory_space<hbm>> -> memref<8192x64xf32, #tpu.memory_space<hbm>>
    tpu.enqueue_indirect_dma source(%dma_start3A_51 : memref<8192x64xf32, #tpu.memory_space<hbm>>) target(%dma_start3A_45 : memref<128x64xf32, #tpu.memory_space<vmem>>) offsets(%dma_start3A_48 : memref<128xi32, #tpu.memory_space<vmem>>) semaphore(%arg7 : memref<!tpu.dma_semaphore, #tpu.memory_space<semaphore_mem>>)
    %dma_start3A_52 = arith.constant 5 : i32
    %dma_start3A_53 = arith.constant 640 : i32
    %dma_start3A_54 = arith.constant 0 : i32
    %dma_start3A_55 = tpu.memref_slice %arg6[%dma_start3A_53, %dma_start3A_54] : memref<1024x64xf32, #tpu.memory_space<vmem>> -> memref<128x64xf32, #tpu.memory_space<vmem>>
    %dma_start3A_56 = arith.constant 0 : i32
    %dma_start3A_57 = tpu.memref_slice %arg5[%dma_start3A_52, %dma_start3A_56] : memref<8x128xi32, #tpu.memory_space<vmem>> -> memref<1x128xi32, #tpu.memory_space<vmem>>
    %dma_start3A_58 = tpu.memref_squeeze %dma_start3A_57 : memref<1x128xi32, #tpu.memory_space<vmem>> -> memref<128xi32, #tpu.memory_space<vmem>>
    %dma_start3A_59 = arith.constant 0 : i32
    %dma_start3A_60 = arith.constant 0 : i32
    %dma_start3A_61 = tpu.memref_slice %arg2[%dma_start3A_59, %dma_start3A_60] : memref<8192x64xf32, #tpu.memory_space<hbm>> -> memref<8192x64xf32, #tpu.memory_space<hbm>>
    tpu.enqueue_indirect_dma source(%dma_start3A_61 : memref<8192x64xf32, #tpu.memory_space<hbm>>) target(%dma_start3A_55 : memref<128x64xf32, #tpu.memory_space<vmem>>) offsets(%dma_start3A_58 : memref<128xi32, #tpu.memory_space<vmem>>) semaphore(%arg7 : memref<!tpu.dma_semaphore, #tpu.memory_space<semaphore_mem>>)
    %dma_start3A_62 = arith.constant 6 : i32
    %dma_start3A_63 = arith.constant 768 : i32
    %dma_start3A_64 = arith.constant 0 : i32
    %dma_start3A_65 = tpu.memref_slice %arg6[%dma_start3A_63, %dma_start3A_64] : memref<1024x64xf32, #tpu.memory_space<vmem>> -> memref<128x64xf32, #tpu.memory_space<vmem>>
    %dma_start3A_66 = arith.constant 0 : i32
    %dma_start3A_67 = tpu.memref_slice %arg5[%dma_start3A_62, %dma_start3A_66] : memref<8x128xi32, #tpu.memory_space<vmem>> -> memref<1x128xi32, #tpu.memory_space<vmem>>
    %dma_start3A_68 = tpu.memref_squeeze %dma_start3A_67 : memref<1x128xi32, #tpu.memory_space<vmem>> -> memref<128xi32, #tpu.memory_space<vmem>>
    %dma_start3A_69 = arith.constant 0 : i32
    %dma_start3A_70 = arith.constant 0 : i32
    %dma_start3A_71 = tpu.memref_slice %arg2[%dma_start3A_69, %dma_start3A_70] : memref<8192x64xf32, #tpu.memory_space<hbm>> -> memref<8192x64xf32, #tpu.memory_space<hbm>>
    tpu.enqueue_indirect_dma source(%dma_start3A_71 : memref<8192x64xf32, #tpu.memory_space<hbm>>) target(%dma_start3A_65 : memref<128x64xf32, #tpu.memory_space<vmem>>) offsets(%dma_start3A_68 : memref<128xi32, #tpu.memory_space<vmem>>) semaphore(%arg7 : memref<!tpu.dma_semaphore, #tpu.memory_space<semaphore_mem>>)
    %dma_start3A_72 = arith.constant 7 : i32
    %dma_start3A_73 = arith.constant 896 : i32
    %dma_start3A_74 = arith.constant 0 : i32
    %dma_start3A_75 = tpu.memref_slice %arg6[%dma_start3A_73, %dma_start3A_74] : memref<1024x64xf32, #tpu.memory_space<vmem>> -> memref<128x64xf32, #tpu.memory_space<vmem>>
    %dma_start3A_76 = arith.constant 0 : i32
    %dma_start3A_77 = tpu.memref_slice %arg5[%dma_start3A_72, %dma_start3A_76] : memref<8x128xi32, #tpu.memory_space<vmem>> -> memref<1x128xi32, #tpu.memory_space<vmem>>
    %dma_start3A_78 = tpu.memref_squeeze %dma_start3A_77 : memref<1x128xi32, #tpu.memory_space<vmem>> -> memref<128xi32, #tpu.memory_space<vmem>>
    %dma_start3A_79 = arith.constant 0 : i32
    %dma_start3A_80 = arith.constant 0 : i32
    %dma_start3A_81 = tpu.memref_slice %arg2[%dma_start3A_79, %dma_start3A_80] : memref<8192x64xf32, #tpu.memory_space<hbm>> -> memref<8192x64xf32, #tpu.memory_space<hbm>>
    tpu.enqueue_indirect_dma source(%dma_start3A_81 : memref<8192x64xf32, #tpu.memory_space<hbm>>) target(%dma_start3A_75 : memref<128x64xf32, #tpu.memory_space<vmem>>) offsets(%dma_start3A_78 : memref<128xi32, #tpu.memory_space<vmem>>) semaphore(%arg7 : memref<!tpu.dma_semaphore, #tpu.memory_space<semaphore_mem>>)
    %dma_wait3A = arith.constant 0 : i32
    %dma_wait3A_82 = arith.constant 0 : i32
    %dma_wait3A_83 = arith.constant 0 : i32
    %dma_wait3A_84 = tpu.memref_slice %arg6[%dma_wait3A_82, %dma_wait3A_83] : memref<1024x64xf32, #tpu.memory_space<vmem>> -> memref<128x64xf32, #tpu.memory_space<vmem>>
    %dma_wait3A_85 = arith.constant 0 : i32
    %dma_wait3A_86 = tpu.memref_slice %arg5[%dma_wait3A, %dma_wait3A_85] : memref<8x128xi32, #tpu.memory_space<vmem>> -> memref<1x128xi32, #tpu.memory_space<vmem>>
    %dma_wait3A_87 = tpu.memref_squeeze %dma_wait3A_86 : memref<1x128xi32, #tpu.memory_space<vmem>> -> memref<128xi32, #tpu.memory_space<vmem>>
    %dma_wait3A_88 = arith.constant 0 : i32
    %dma_wait3A_89 = arith.constant 0 : i32
    %dma_wait3A_90 = tpu.memref_slice %arg2[%dma_wait3A_88, %dma_wait3A_89] : memref<8192x64xf32, #tpu.memory_space<hbm>> -> memref<8192x64xf32, #tpu.memory_space<hbm>>
    tpu.wait_indirect_dma semaphore(%arg7 : memref<!tpu.dma_semaphore, #tpu.memory_space<semaphore_mem>>) src(%dma_wait3A_90 : memref<8192x64xf32, #tpu.memory_space<hbm>>) dst(%dma_wait3A_84 : memref<128x64xf32, #tpu.memory_space<vmem>>)
    %mul3A_91 = arith.constant 1024 : i32
    %mul3A_92 = arith.muli %add3A, %mul3A_91 : i32
    %add3A_93 = arith.constant 0 : i32
    %add3A_94 = arith.addi %mul3A_92, %add3A_93 : i32
    %dma_start3A_95 = arith.constant 0 : i32
    %dma_start3A_96 = arith.constant 0 : i32
    %dma_start3A_97 = tpu.memref_slice %arg6[%dma_start3A_95, %dma_start3A_96] : memref<1024x64xf32, #tpu.memory_space<vmem>> -> memref<128x64xf32, #tpu.memory_space<vmem>>
    %dma_start3A_98 = arith.constant 0 : i32
    %dma_start3A_99 = tpu.memref_slice %arg4[%add3A_94, %dma_start3A_98] : memref<32768x64xf32, #tpu.memory_space<hbm>> -> memref<128x64xf32, #tpu.memory_space<hbm>>
    %dma_start3A_100 = arith.constant 0 : i32
    %dma_start3A_101 = tpu.memref_slice %arg4[%add3A_94, %dma_start3A_100] : memref<32768x64xf32, #tpu.memory_space<hbm>> -> memref<128x64xf32, #tpu.memory_space<hbm>>
    %dma_start3A_102 = arith.constant 0 : i32
    %dma_start3A_103 = arith.constant 0 : i32
    %dma_start3A_104 = tpu.memref_slice %arg6[%dma_start3A_102, %dma_start3A_103] : memref<1024x64xf32, #tpu.memory_space<vmem>> -> memref<128x64xf32, #tpu.memory_space<vmem>>
    tpu.enqueue_dma source(%dma_start3A_104 : memref<128x64xf32, #tpu.memory_space<vmem>>) target(%dma_start3A_101 : memref<128x64xf32, #tpu.memory_space<hbm>>) target_semaphore(%arg8 : memref<!tpu.dma_semaphore, #tpu.memory_space<semaphore_mem>>)
    %dma_wait3A_105 = arith.constant 1 : i32
    %dma_wait3A_106 = arith.constant 128 : i32
    %dma_wait3A_107 = arith.constant 0 : i32
    %dma_wait3A_108 = tpu.memref_slice %arg6[%dma_wait3A_106, %dma_wait3A_107] : memref<1024x64xf32, #tpu.memory_space<vmem>> -> memref<128x64xf32, #tpu.memory_space<vmem>>
    %dma_wait3A_109 = arith.constant 0 : i32
    %dma_wait3A_110 = tpu.memref_slice %arg5[%dma_wait3A_105, %dma_wait3A_109] : memref<8x128xi32, #tpu.memory_space<vmem>> -> memref<1x128xi32, #tpu.memory_space<vmem>>
    %dma_wait3A_111 = tpu.memref_squeeze %dma_wait3A_110 : memref<1x128xi32, #tpu.memory_space<vmem>> -> memref<128xi32, #tpu.memory_space<vmem>>
    %dma_wait3A_112 = arith.constant 0 : i32
    %dma_wait3A_113 = arith.constant 0 : i32
    %dma_wait3A_114 = tpu.memref_slice %arg2[%dma_wait3A_112, %dma_wait3A_113] : memref<8192x64xf32, #tpu.memory_space<hbm>> -> memref<8192x64xf32, #tpu.memory_space<hbm>>
    tpu.wait_indirect_dma semaphore(%arg7 : memref<!tpu.dma_semaphore, #tpu.memory_space<semaphore_mem>>) src(%dma_wait3A_114 : memref<8192x64xf32, #tpu.memory_space<hbm>>) dst(%dma_wait3A_108 : memref<128x64xf32, #tpu.memory_space<vmem>>)
    %mul3A_115 = arith.constant 1024 : i32
    %mul3A_116 = arith.muli %add3A, %mul3A_115 : i32
    %add3A_117 = arith.constant 128 : i32
    %add3A_118 = arith.addi %mul3A_116, %add3A_117 : i32
    %dma_start3A_119 = arith.constant 128 : i32
    %dma_start3A_120 = arith.constant 0 : i32
    %dma_start3A_121 = tpu.memref_slice %arg6[%dma_start3A_119, %dma_start3A_120] : memref<1024x64xf32, #tpu.memory_space<vmem>> -> memref<128x64xf32, #tpu.memory_space<vmem>>
    %dma_start3A_122 = arith.constant 0 : i32
    %dma_start3A_123 = tpu.memref_slice %arg4[%add3A_118, %dma_start3A_122] : memref<32768x64xf32, #tpu.memory_space<hbm>> -> memref<128x64xf32, #tpu.memory_space<hbm>>
    %dma_start3A_124 = arith.constant 0 : i32
    %dma_start3A_125 = tpu.memref_slice %arg4[%add3A_118, %dma_start3A_124] : memref<32768x64xf32, #tpu.memory_space<hbm>> -> memref<128x64xf32, #tpu.memory_space<hbm>>
    %dma_start3A_126 = arith.constant 128 : i32
    %dma_start3A_127 = arith.constant 0 : i32
    %dma_start3A_128 = tpu.memref_slice %arg6[%dma_start3A_126, %dma_start3A_127] : memref<1024x64xf32, #tpu.memory_space<vmem>> -> memref<128x64xf32, #tpu.memory_space<vmem>>
    tpu.enqueue_dma source(%dma_start3A_128 : memref<128x64xf32, #tpu.memory_space<vmem>>) target(%dma_start3A_125 : memref<128x64xf32, #tpu.memory_space<hbm>>) target_semaphore(%arg8 : memref<!tpu.dma_semaphore, #tpu.memory_space<semaphore_mem>>)
    %dma_wait3A_129 = arith.constant 2 : i32
    %dma_wait3A_130 = arith.constant 256 : i32
    %dma_wait3A_131 = arith.constant 0 : i32
    %dma_wait3A_132 = tpu.memref_slice %arg6[%dma_wait3A_130, %dma_wait3A_131] : memref<1024x64xf32, #tpu.memory_space<vmem>> -> memref<128x64xf32, #tpu.memory_space<vmem>>
    %dma_wait3A_133 = arith.constant 0 : i32
    %dma_wait3A_134 = tpu.memref_slice %arg5[%dma_wait3A_129, %dma_wait3A_133] : memref<8x128xi32, #tpu.memory_space<vmem>> -> memref<1x128xi32, #tpu.memory_space<vmem>>
    %dma_wait3A_135 = tpu.memref_squeeze %dma_wait3A_134 : memref<1x128xi32, #tpu.memory_space<vmem>> -> memref<128xi32, #tpu.memory_space<vmem>>
    %dma_wait3A_136 = arith.constant 0 : i32
    %dma_wait3A_137 = arith.constant 0 : i32
    %dma_wait3A_138 = tpu.memref_slice %arg2[%dma_wait3A_136, %dma_wait3A_137] : memref<8192x64xf32, #tpu.memory_space<hbm>> -> memref<8192x64xf32, #tpu.memory_space<hbm>>
    tpu.wait_indirect_dma semaphore(%arg7 : memref<!tpu.dma_semaphore, #tpu.memory_space<semaphore_mem>>) src(%dma_wait3A_138 : memref<8192x64xf32, #tpu.memory_space<hbm>>) dst(%dma_wait3A_132 : memref<128x64xf32, #tpu.memory_space<vmem>>)
    %mul3A_139 = arith.constant 1024 : i32
    %mul3A_140 = arith.muli %add3A, %mul3A_139 : i32
    %add3A_141 = arith.constant 256 : i32
    %add3A_142 = arith.addi %mul3A_140, %add3A_141 : i32
    %dma_start3A_143 = arith.constant 256 : i32
    %dma_start3A_144 = arith.constant 0 : i32
    %dma_start3A_145 = tpu.memref_slice %arg6[%dma_start3A_143, %dma_start3A_144] : memref<1024x64xf32, #tpu.memory_space<vmem>> -> memref<128x64xf32, #tpu.memory_space<vmem>>
    %dma_start3A_146 = arith.constant 0 : i32
    %dma_start3A_147 = tpu.memref_slice %arg4[%add3A_142, %dma_start3A_146] : memref<32768x64xf32, #tpu.memory_space<hbm>> -> memref<128x64xf32, #tpu.memory_space<hbm>>
    %dma_start3A_148 = arith.constant 0 : i32
    %dma_start3A_149 = tpu.memref_slice %arg4[%add3A_142, %dma_start3A_148] : memref<32768x64xf32, #tpu.memory_space<hbm>> -> memref<128x64xf32, #tpu.memory_space<hbm>>
    %dma_start3A_150 = arith.constant 256 : i32
    %dma_start3A_151 = arith.constant 0 : i32
    %dma_start3A_152 = tpu.memref_slice %arg6[%dma_start3A_150, %dma_start3A_151] : memref<1024x64xf32, #tpu.memory_space<vmem>> -> memref<128x64xf32, #tpu.memory_space<vmem>>
    tpu.enqueue_dma source(%dma_start3A_152 : memref<128x64xf32, #tpu.memory_space<vmem>>) target(%dma_start3A_149 : memref<128x64xf32, #tpu.memory_space<hbm>>) target_semaphore(%arg8 : memref<!tpu.dma_semaphore, #tpu.memory_space<semaphore_mem>>)
    %dma_wait3A_153 = arith.constant 3 : i32
    %dma_wait3A_154 = arith.constant 384 : i32
    %dma_wait3A_155 = arith.constant 0 : i32
    %dma_wait3A_156 = tpu.memref_slice %arg6[%dma_wait3A_154, %dma_wait3A_155] : memref<1024x64xf32, #tpu.memory_space<vmem>> -> memref<128x64xf32, #tpu.memory_space<vmem>>
    %dma_wait3A_157 = arith.constant 0 : i32
    %dma_wait3A_158 = tpu.memref_slice %arg5[%dma_wait3A_153, %dma_wait3A_157] : memref<8x128xi32, #tpu.memory_space<vmem>> -> memref<1x128xi32, #tpu.memory_space<vmem>>
    %dma_wait3A_159 = tpu.memref_squeeze %dma_wait3A_158 : memref<1x128xi32, #tpu.memory_space<vmem>> -> memref<128xi32, #tpu.memory_space<vmem>>
    %dma_wait3A_160 = arith.constant 0 : i32
    %dma_wait3A_161 = arith.constant 0 : i32
    %dma_wait3A_162 = tpu.memref_slice %arg2[%dma_wait3A_160, %dma_wait3A_161] : memref<8192x64xf32, #tpu.memory_space<hbm>> -> memref<8192x64xf32, #tpu.memory_space<hbm>>
    tpu.wait_indirect_dma semaphore(%arg7 : memref<!tpu.dma_semaphore, #tpu.memory_space<semaphore_mem>>) src(%dma_wait3A_162 : memref<8192x64xf32, #tpu.memory_space<hbm>>) dst(%dma_wait3A_156 : memref<128x64xf32, #tpu.memory_space<vmem>>)
    %mul3A_163 = arith.constant 1024 : i32
    %mul3A_164 = arith.muli %add3A, %mul3A_163 : i32
    %add3A_165 = arith.constant 384 : i32
    %add3A_166 = arith.addi %mul3A_164, %add3A_165 : i32
    %dma_start3A_167 = arith.constant 384 : i32
    %dma_start3A_168 = arith.constant 0 : i32
    %dma_start3A_169 = tpu.memref_slice %arg6[%dma_start3A_167, %dma_start3A_168] : memref<1024x64xf32, #tpu.memory_space<vmem>> -> memref<128x64xf32, #tpu.memory_space<vmem>>
    %dma_start3A_170 = arith.constant 0 : i32
    %dma_start3A_171 = tpu.memref_slice %arg4[%add3A_166, %dma_start3A_170] : memref<32768x64xf32, #tpu.memory_space<hbm>> -> memref<128x64xf32, #tpu.memory_space<hbm>>
    %dma_start3A_172 = arith.constant 0 : i32
    %dma_start3A_173 = tpu.memref_slice %arg4[%add3A_166, %dma_start3A_172] : memref<32768x64xf32, #tpu.memory_space<hbm>> -> memref<128x64xf32, #tpu.memory_space<hbm>>
    %dma_start3A_174 = arith.constant 384 : i32
    %dma_start3A_175 = arith.constant 0 : i32
    %dma_start3A_176 = tpu.memref_slice %arg6[%dma_start3A_174, %dma_start3A_175] : memref<1024x64xf32, #tpu.memory_space<vmem>> -> memref<128x64xf32, #tpu.memory_space<vmem>>
    tpu.enqueue_dma source(%dma_start3A_176 : memref<128x64xf32, #tpu.memory_space<vmem>>) target(%dma_start3A_173 : memref<128x64xf32, #tpu.memory_space<hbm>>) target_semaphore(%arg8 : memref<!tpu.dma_semaphore, #tpu.memory_space<semaphore_mem>>)
    %dma_wait3A_177 = arith.constant 4 : i32
    %dma_wait3A_178 = arith.constant 512 : i32
    %dma_wait3A_179 = arith.constant 0 : i32
    %dma_wait3A_180 = tpu.memref_slice %arg6[%dma_wait3A_178, %dma_wait3A_179] : memref<1024x64xf32, #tpu.memory_space<vmem>> -> memref<128x64xf32, #tpu.memory_space<vmem>>
    %dma_wait3A_181 = arith.constant 0 : i32
    %dma_wait3A_182 = tpu.memref_slice %arg5[%dma_wait3A_177, %dma_wait3A_181] : memref<8x128xi32, #tpu.memory_space<vmem>> -> memref<1x128xi32, #tpu.memory_space<vmem>>
    %dma_wait3A_183 = tpu.memref_squeeze %dma_wait3A_182 : memref<1x128xi32, #tpu.memory_space<vmem>> -> memref<128xi32, #tpu.memory_space<vmem>>
    %dma_wait3A_184 = arith.constant 0 : i32
    %dma_wait3A_185 = arith.constant 0 : i32
    %dma_wait3A_186 = tpu.memref_slice %arg2[%dma_wait3A_184, %dma_wait3A_185] : memref<8192x64xf32, #tpu.memory_space<hbm>> -> memref<8192x64xf32, #tpu.memory_space<hbm>>
    tpu.wait_indirect_dma semaphore(%arg7 : memref<!tpu.dma_semaphore, #tpu.memory_space<semaphore_mem>>) src(%dma_wait3A_186 : memref<8192x64xf32, #tpu.memory_space<hbm>>) dst(%dma_wait3A_180 : memref<128x64xf32, #tpu.memory_space<vmem>>)
    %mul3A_187 = arith.constant 1024 : i32
    %mul3A_188 = arith.muli %add3A, %mul3A_187 : i32
    %add3A_189 = arith.constant 512 : i32
    %add3A_190 = arith.addi %mul3A_188, %add3A_189 : i32
    %dma_start3A_191 = arith.constant 512 : i32
    %dma_start3A_192 = arith.constant 0 : i32
    %dma_start3A_193 = tpu.memref_slice %arg6[%dma_start3A_191, %dma_start3A_192] : memref<1024x64xf32, #tpu.memory_space<vmem>> -> memref<128x64xf32, #tpu.memory_space<vmem>>
    %dma_start3A_194 = arith.constant 0 : i32
    %dma_start3A_195 = tpu.memref_slice %arg4[%add3A_190, %dma_start3A_194] : memref<32768x64xf32, #tpu.memory_space<hbm>> -> memref<128x64xf32, #tpu.memory_space<hbm>>
    %dma_start3A_196 = arith.constant 0 : i32
    %dma_start3A_197 = tpu.memref_slice %arg4[%add3A_190, %dma_start3A_196] : memref<32768x64xf32, #tpu.memory_space<hbm>> -> memref<128x64xf32, #tpu.memory_space<hbm>>
    %dma_start3A_198 = arith.constant 512 : i32
    %dma_start3A_199 = arith.constant 0 : i32
    %dma_start3A_200 = tpu.memref_slice %arg6[%dma_start3A_198, %dma_start3A_199] : memref<1024x64xf32, #tpu.memory_space<vmem>> -> memref<128x64xf32, #tpu.memory_space<vmem>>
    tpu.enqueue_dma source(%dma_start3A_200 : memref<128x64xf32, #tpu.memory_space<vmem>>) target(%dma_start3A_197 : memref<128x64xf32, #tpu.memory_space<hbm>>) target_semaphore(%arg8 : memref<!tpu.dma_semaphore, #tpu.memory_space<semaphore_mem>>)
    %dma_wait3A_201 = arith.constant 5 : i32
    %dma_wait3A_202 = arith.constant 640 : i32
    %dma_wait3A_203 = arith.constant 0 : i32
    %dma_wait3A_204 = tpu.memref_slice %arg6[%dma_wait3A_202, %dma_wait3A_203] : memref<1024x64xf32, #tpu.memory_space<vmem>> -> memref<128x64xf32, #tpu.memory_space<vmem>>
    %dma_wait3A_205 = arith.constant 0 : i32
    %dma_wait3A_206 = tpu.memref_slice %arg5[%dma_wait3A_201, %dma_wait3A_205] : memref<8x128xi32, #tpu.memory_space<vmem>> -> memref<1x128xi32, #tpu.memory_space<vmem>>
    %dma_wait3A_207 = tpu.memref_squeeze %dma_wait3A_206 : memref<1x128xi32, #tpu.memory_space<vmem>> -> memref<128xi32, #tpu.memory_space<vmem>>
    %dma_wait3A_208 = arith.constant 0 : i32
    %dma_wait3A_209 = arith.constant 0 : i32
    %dma_wait3A_210 = tpu.memref_slice %arg2[%dma_wait3A_208, %dma_wait3A_209] : memref<8192x64xf32, #tpu.memory_space<hbm>> -> memref<8192x64xf32, #tpu.memory_space<hbm>>
    tpu.wait_indirect_dma semaphore(%arg7 : memref<!tpu.dma_semaphore, #tpu.memory_space<semaphore_mem>>) src(%dma_wait3A_210 : memref<8192x64xf32, #tpu.memory_space<hbm>>) dst(%dma_wait3A_204 : memref<128x64xf32, #tpu.memory_space<vmem>>)
    %mul3A_211 = arith.constant 1024 : i32
    %mul3A_212 = arith.muli %add3A, %mul3A_211 : i32
    %add3A_213 = arith.constant 640 : i32
    %add3A_214 = arith.addi %mul3A_212, %add3A_213 : i32
    %dma_start3A_215 = arith.constant 640 : i32
    %dma_start3A_216 = arith.constant 0 : i32
    %dma_start3A_217 = tpu.memref_slice %arg6[%dma_start3A_215, %dma_start3A_216] : memref<1024x64xf32, #tpu.memory_space<vmem>> -> memref<128x64xf32, #tpu.memory_space<vmem>>
    %dma_start3A_218 = arith.constant 0 : i32
    %dma_start3A_219 = tpu.memref_slice %arg4[%add3A_214, %dma_start3A_218] : memref<32768x64xf32, #tpu.memory_space<hbm>> -> memref<128x64xf32, #tpu.memory_space<hbm>>
    %dma_start3A_220 = arith.constant 0 : i32
    %dma_start3A_221 = tpu.memref_slice %arg4[%add3A_214, %dma_start3A_220] : memref<32768x64xf32, #tpu.memory_space<hbm>> -> memref<128x64xf32, #tpu.memory_space<hbm>>
    %dma_start3A_222 = arith.constant 640 : i32
    %dma_start3A_223 = arith.constant 0 : i32
    %dma_start3A_224 = tpu.memref_slice %arg6[%dma_start3A_222, %dma_start3A_223] : memref<1024x64xf32, #tpu.memory_space<vmem>> -> memref<128x64xf32, #tpu.memory_space<vmem>>
    tpu.enqueue_dma source(%dma_start3A_224 : memref<128x64xf32, #tpu.memory_space<vmem>>) target(%dma_start3A_221 : memref<128x64xf32, #tpu.memory_space<hbm>>) target_semaphore(%arg8 : memref<!tpu.dma_semaphore, #tpu.memory_space<semaphore_mem>>)
    %dma_wait3A_225 = arith.constant 6 : i32
    %dma_wait3A_226 = arith.constant 768 : i32
    %dma_wait3A_227 = arith.constant 0 : i32
    %dma_wait3A_228 = tpu.memref_slice %arg6[%dma_wait3A_226, %dma_wait3A_227] : memref<1024x64xf32, #tpu.memory_space<vmem>> -> memref<128x64xf32, #tpu.memory_space<vmem>>
    %dma_wait3A_229 = arith.constant 0 : i32
    %dma_wait3A_230 = tpu.memref_slice %arg5[%dma_wait3A_225, %dma_wait3A_229] : memref<8x128xi32, #tpu.memory_space<vmem>> -> memref<1x128xi32, #tpu.memory_space<vmem>>
    %dma_wait3A_231 = tpu.memref_squeeze %dma_wait3A_230 : memref<1x128xi32, #tpu.memory_space<vmem>> -> memref<128xi32, #tpu.memory_space<vmem>>
    %dma_wait3A_232 = arith.constant 0 : i32
    %dma_wait3A_233 = arith.constant 0 : i32
    %dma_wait3A_234 = tpu.memref_slice %arg2[%dma_wait3A_232, %dma_wait3A_233] : memref<8192x64xf32, #tpu.memory_space<hbm>> -> memref<8192x64xf32, #tpu.memory_space<hbm>>
    tpu.wait_indirect_dma semaphore(%arg7 : memref<!tpu.dma_semaphore, #tpu.memory_space<semaphore_mem>>) src(%dma_wait3A_234 : memref<8192x64xf32, #tpu.memory_space<hbm>>) dst(%dma_wait3A_228 : memref<128x64xf32, #tpu.memory_space<vmem>>)
    %mul3A_235 = arith.constant 1024 : i32
    %mul3A_236 = arith.muli %add3A, %mul3A_235 : i32
    %add3A_237 = arith.constant 768 : i32
    %add3A_238 = arith.addi %mul3A_236, %add3A_237 : i32
    %dma_start3A_239 = arith.constant 768 : i32
    %dma_start3A_240 = arith.constant 0 : i32
    %dma_start3A_241 = tpu.memref_slice %arg6[%dma_start3A_239, %dma_start3A_240] : memref<1024x64xf32, #tpu.memory_space<vmem>> -> memref<128x64xf32, #tpu.memory_space<vmem>>
    %dma_start3A_242 = arith.constant 0 : i32
    %dma_start3A_243 = tpu.memref_slice %arg4[%add3A_238, %dma_start3A_242] : memref<32768x64xf32, #tpu.memory_space<hbm>> -> memref<128x64xf32, #tpu.memory_space<hbm>>
    %dma_start3A_244 = arith.constant 0 : i32
    %dma_start3A_245 = tpu.memref_slice %arg4[%add3A_238, %dma_start3A_244] : memref<32768x64xf32, #tpu.memory_space<hbm>> -> memref<128x64xf32, #tpu.memory_space<hbm>>
    %dma_start3A_246 = arith.constant 768 : i32
    %dma_start3A_247 = arith.constant 0 : i32
    %dma_start3A_248 = tpu.memref_slice %arg6[%dma_start3A_246, %dma_start3A_247] : memref<1024x64xf32, #tpu.memory_space<vmem>> -> memref<128x64xf32, #tpu.memory_space<vmem>>
    tpu.enqueue_dma source(%dma_start3A_248 : memref<128x64xf32, #tpu.memory_space<vmem>>) target(%dma_start3A_245 : memref<128x64xf32, #tpu.memory_space<hbm>>) target_semaphore(%arg8 : memref<!tpu.dma_semaphore, #tpu.memory_space<semaphore_mem>>)
    %dma_wait3A_249 = arith.constant 7 : i32
    %dma_wait3A_250 = arith.constant 896 : i32
    %dma_wait3A_251 = arith.constant 0 : i32
    %dma_wait3A_252 = tpu.memref_slice %arg6[%dma_wait3A_250, %dma_wait3A_251] : memref<1024x64xf32, #tpu.memory_space<vmem>> -> memref<128x64xf32, #tpu.memory_space<vmem>>
    %dma_wait3A_253 = arith.constant 0 : i32
    %dma_wait3A_254 = tpu.memref_slice %arg5[%dma_wait3A_249, %dma_wait3A_253] : memref<8x128xi32, #tpu.memory_space<vmem>> -> memref<1x128xi32, #tpu.memory_space<vmem>>
    %dma_wait3A_255 = tpu.memref_squeeze %dma_wait3A_254 : memref<1x128xi32, #tpu.memory_space<vmem>> -> memref<128xi32, #tpu.memory_space<vmem>>
    %dma_wait3A_256 = arith.constant 0 : i32
    %dma_wait3A_257 = arith.constant 0 : i32
    %dma_wait3A_258 = tpu.memref_slice %arg2[%dma_wait3A_256, %dma_wait3A_257] : memref<8192x64xf32, #tpu.memory_space<hbm>> -> memref<8192x64xf32, #tpu.memory_space<hbm>>
    tpu.wait_indirect_dma semaphore(%arg7 : memref<!tpu.dma_semaphore, #tpu.memory_space<semaphore_mem>>) src(%dma_wait3A_258 : memref<8192x64xf32, #tpu.memory_space<hbm>>) dst(%dma_wait3A_252 : memref<128x64xf32, #tpu.memory_space<vmem>>)
    %mul3A_259 = arith.constant 1024 : i32
    %mul3A_260 = arith.muli %add3A, %mul3A_259 : i32
    %add3A_261 = arith.constant 896 : i32
    %add3A_262 = arith.addi %mul3A_260, %add3A_261 : i32
    %dma_start3A_263 = arith.constant 896 : i32
    %dma_start3A_264 = arith.constant 0 : i32
    %dma_start3A_265 = tpu.memref_slice %arg6[%dma_start3A_263, %dma_start3A_264] : memref<1024x64xf32, #tpu.memory_space<vmem>> -> memref<128x64xf32, #tpu.memory_space<vmem>>
    %dma_start3A_266 = arith.constant 0 : i32
    %dma_start3A_267 = tpu.memref_slice %arg4[%add3A_262, %dma_start3A_266] : memref<32768x64xf32, #tpu.memory_space<hbm>> -> memref<128x64xf32, #tpu.memory_space<hbm>>
    %dma_start3A_268 = arith.constant 0 : i32
    %dma_start3A_269 = tpu.memref_slice %arg4[%add3A_262, %dma_start3A_268] : memref<32768x64xf32, #tpu.memory_space<hbm>> -> memref<128x64xf32, #tpu.memory_space<hbm>>
    %dma_start3A_270 = arith.constant 896 : i32
    %dma_start3A_271 = arith.constant 0 : i32
    %dma_start3A_272 = tpu.memref_slice %arg6[%dma_start3A_270, %dma_start3A_271] : memref<1024x64xf32, #tpu.memory_space<vmem>> -> memref<128x64xf32, #tpu.memory_space<vmem>>
    tpu.enqueue_dma source(%dma_start3A_272 : memref<128x64xf32, #tpu.memory_space<vmem>>) target(%dma_start3A_269 : memref<128x64xf32, #tpu.memory_space<hbm>>) target_semaphore(%arg8 : memref<!tpu.dma_semaphore, #tpu.memory_space<semaphore_mem>>)
    %dma_wait3A_273 = arith.constant 0 : i32
    %dma_wait3A_274 = arith.constant 0 : i32
    %dma_wait3A_275 = tpu.memref_slice %arg6[%dma_wait3A_273, %dma_wait3A_274] : memref<1024x64xf32, #tpu.memory_space<vmem>> -> memref<128x64xf32, #tpu.memory_space<vmem>>
    %dma_wait3A_276 = arith.constant 0 : i32
    %dma_wait3A_277 = tpu.memref_slice %arg4[%add3A_94, %dma_wait3A_276] : memref<32768x64xf32, #tpu.memory_space<hbm>> -> memref<128x64xf32, #tpu.memory_space<hbm>>
    %dma_wait3A_278 = arith.constant 0 : i32
    %dma_wait3A_279 = tpu.memref_slice %arg4[%add3A_94, %dma_wait3A_278] : memref<32768x64xf32, #tpu.memory_space<hbm>> -> memref<128x64xf32, #tpu.memory_space<hbm>>
    %dma_wait3A_280 = arith.constant 0 : i32
    %dma_wait3A_281 = arith.constant 0 : i32
    %dma_wait3A_282 = tpu.memref_slice %arg6[%dma_wait3A_280, %dma_wait3A_281] : memref<1024x64xf32, #tpu.memory_space<vmem>> -> memref<128x64xf32, #tpu.memory_space<vmem>>
    tpu.wait_dma2 semaphore(%arg8 : memref<!tpu.dma_semaphore, #tpu.memory_space<semaphore_mem>>) src(%dma_wait3A_282 : memref<128x64xf32, #tpu.memory_space<vmem>>) dst(%dma_wait3A_279 : memref<128x64xf32, #tpu.memory_space<hbm>>)
    %dma_wait3A_283 = arith.constant 128 : i32
    %dma_wait3A_284 = arith.constant 0 : i32
    %dma_wait3A_285 = tpu.memref_slice %arg6[%dma_wait3A_283, %dma_wait3A_284] : memref<1024x64xf32, #tpu.memory_space<vmem>> -> memref<128x64xf32, #tpu.memory_space<vmem>>
    %dma_wait3A_286 = arith.constant 0 : i32
    %dma_wait3A_287 = tpu.memref_slice %arg4[%add3A_118, %dma_wait3A_286] : memref<32768x64xf32, #tpu.memory_space<hbm>> -> memref<128x64xf32, #tpu.memory_space<hbm>>
    %dma_wait3A_288 = arith.constant 0 : i32
    %dma_wait3A_289 = tpu.memref_slice %arg4[%add3A_118, %dma_wait3A_288] : memref<32768x64xf32, #tpu.memory_space<hbm>> -> memref<128x64xf32, #tpu.memory_space<hbm>>
    %dma_wait3A_290 = arith.constant 128 : i32
    %dma_wait3A_291 = arith.constant 0 : i32
    %dma_wait3A_292 = tpu.memref_slice %arg6[%dma_wait3A_290, %dma_wait3A_291] : memref<1024x64xf32, #tpu.memory_space<vmem>> -> memref<128x64xf32, #tpu.memory_space<vmem>>
    tpu.wait_dma2 semaphore(%arg8 : memref<!tpu.dma_semaphore, #tpu.memory_space<semaphore_mem>>) src(%dma_wait3A_292 : memref<128x64xf32, #tpu.memory_space<vmem>>) dst(%dma_wait3A_289 : memref<128x64xf32, #tpu.memory_space<hbm>>)
    %dma_wait3A_293 = arith.constant 256 : i32
    %dma_wait3A_294 = arith.constant 0 : i32
    %dma_wait3A_295 = tpu.memref_slice %arg6[%dma_wait3A_293, %dma_wait3A_294] : memref<1024x64xf32, #tpu.memory_space<vmem>> -> memref<128x64xf32, #tpu.memory_space<vmem>>
    %dma_wait3A_296 = arith.constant 0 : i32
    %dma_wait3A_297 = tpu.memref_slice %arg4[%add3A_142, %dma_wait3A_296] : memref<32768x64xf32, #tpu.memory_space<hbm>> -> memref<128x64xf32, #tpu.memory_space<hbm>>
    %dma_wait3A_298 = arith.constant 0 : i32
    %dma_wait3A_299 = tpu.memref_slice %arg4[%add3A_142, %dma_wait3A_298] : memref<32768x64xf32, #tpu.memory_space<hbm>> -> memref<128x64xf32, #tpu.memory_space<hbm>>
    %dma_wait3A_300 = arith.constant 256 : i32
    %dma_wait3A_301 = arith.constant 0 : i32
    %dma_wait3A_302 = tpu.memref_slice %arg6[%dma_wait3A_300, %dma_wait3A_301] : memref<1024x64xf32, #tpu.memory_space<vmem>> -> memref<128x64xf32, #tpu.memory_space<vmem>>
    tpu.wait_dma2 semaphore(%arg8 : memref<!tpu.dma_semaphore, #tpu.memory_space<semaphore_mem>>) src(%dma_wait3A_302 : memref<128x64xf32, #tpu.memory_space<vmem>>) dst(%dma_wait3A_299 : memref<128x64xf32, #tpu.memory_space<hbm>>)
    %dma_wait3A_303 = arith.constant 384 : i32
    %dma_wait3A_304 = arith.constant 0 : i32
    %dma_wait3A_305 = tpu.memref_slice %arg6[%dma_wait3A_303, %dma_wait3A_304] : memref<1024x64xf32, #tpu.memory_space<vmem>> -> memref<128x64xf32, #tpu.memory_space<vmem>>
    %dma_wait3A_306 = arith.constant 0 : i32
    %dma_wait3A_307 = tpu.memref_slice %arg4[%add3A_166, %dma_wait3A_306] : memref<32768x64xf32, #tpu.memory_space<hbm>> -> memref<128x64xf32, #tpu.memory_space<hbm>>
    %dma_wait3A_308 = arith.constant 0 : i32
    %dma_wait3A_309 = tpu.memref_slice %arg4[%add3A_166, %dma_wait3A_308] : memref<32768x64xf32, #tpu.memory_space<hbm>> -> memref<128x64xf32, #tpu.memory_space<hbm>>
    %dma_wait3A_310 = arith.constant 384 : i32
    %dma_wait3A_311 = arith.constant 0 : i32
    %dma_wait3A_312 = tpu.memref_slice %arg6[%dma_wait3A_310, %dma_wait3A_311] : memref<1024x64xf32, #tpu.memory_space<vmem>> -> memref<128x64xf32, #tpu.memory_space<vmem>>
    tpu.wait_dma2 semaphore(%arg8 : memref<!tpu.dma_semaphore, #tpu.memory_space<semaphore_mem>>) src(%dma_wait3A_312 : memref<128x64xf32, #tpu.memory_space<vmem>>) dst(%dma_wait3A_309 : memref<128x64xf32, #tpu.memory_space<hbm>>)
    %dma_wait3A_313 = arith.constant 512 : i32
    %dma_wait3A_314 = arith.constant 0 : i32
    %dma_wait3A_315 = tpu.memref_slice %arg6[%dma_wait3A_313, %dma_wait3A_314] : memref<1024x64xf32, #tpu.memory_space<vmem>> -> memref<128x64xf32, #tpu.memory_space<vmem>>
    %dma_wait3A_316 = arith.constant 0 : i32
    %dma_wait3A_317 = tpu.memref_slice %arg4[%add3A_190, %dma_wait3A_316] : memref<32768x64xf32, #tpu.memory_space<hbm>> -> memref<128x64xf32, #tpu.memory_space<hbm>>
    %dma_wait3A_318 = arith.constant 0 : i32
    %dma_wait3A_319 = tpu.memref_slice %arg4[%add3A_190, %dma_wait3A_318] : memref<32768x64xf32, #tpu.memory_space<hbm>> -> memref<128x64xf32, #tpu.memory_space<hbm>>
    %dma_wait3A_320 = arith.constant 512 : i32
    %dma_wait3A_321 = arith.constant 0 : i32
    %dma_wait3A_322 = tpu.memref_slice %arg6[%dma_wait3A_320, %dma_wait3A_321] : memref<1024x64xf32, #tpu.memory_space<vmem>> -> memref<128x64xf32, #tpu.memory_space<vmem>>
    tpu.wait_dma2 semaphore(%arg8 : memref<!tpu.dma_semaphore, #tpu.memory_space<semaphore_mem>>) src(%dma_wait3A_322 : memref<128x64xf32, #tpu.memory_space<vmem>>) dst(%dma_wait3A_319 : memref<128x64xf32, #tpu.memory_space<hbm>>)
    %dma_wait3A_323 = arith.constant 640 : i32
    %dma_wait3A_324 = arith.constant 0 : i32
    %dma_wait3A_325 = tpu.memref_slice %arg6[%dma_wait3A_323, %dma_wait3A_324] : memref<1024x64xf32, #tpu.memory_space<vmem>> -> memref<128x64xf32, #tpu.memory_space<vmem>>
    %dma_wait3A_326 = arith.constant 0 : i32
    %dma_wait3A_327 = tpu.memref_slice %arg4[%add3A_214, %dma_wait3A_326] : memref<32768x64xf32, #tpu.memory_space<hbm>> -> memref<128x64xf32, #tpu.memory_space<hbm>>
    %dma_wait3A_328 = arith.constant 0 : i32
    %dma_wait3A_329 = tpu.memref_slice %arg4[%add3A_214, %dma_wait3A_328] : memref<32768x64xf32, #tpu.memory_space<hbm>> -> memref<128x64xf32, #tpu.memory_space<hbm>>
    %dma_wait3A_330 = arith.constant 640 : i32
    %dma_wait3A_331 = arith.constant 0 : i32
    %dma_wait3A_332 = tpu.memref_slice %arg6[%dma_wait3A_330, %dma_wait3A_331] : memref<1024x64xf32, #tpu.memory_space<vmem>> -> memref<128x64xf32, #tpu.memory_space<vmem>>
    tpu.wait_dma2 semaphore(%arg8 : memref<!tpu.dma_semaphore, #tpu.memory_space<semaphore_mem>>) src(%dma_wait3A_332 : memref<128x64xf32, #tpu.memory_space<vmem>>) dst(%dma_wait3A_329 : memref<128x64xf32, #tpu.memory_space<hbm>>)
    %dma_wait3A_333 = arith.constant 768 : i32
    %dma_wait3A_334 = arith.constant 0 : i32
    %dma_wait3A_335 = tpu.memref_slice %arg6[%dma_wait3A_333, %dma_wait3A_334] : memref<1024x64xf32, #tpu.memory_space<vmem>> -> memref<128x64xf32, #tpu.memory_space<vmem>>
    %dma_wait3A_336 = arith.constant 0 : i32
    %dma_wait3A_337 = tpu.memref_slice %arg4[%add3A_238, %dma_wait3A_336] : memref<32768x64xf32, #tpu.memory_space<hbm>> -> memref<128x64xf32, #tpu.memory_space<hbm>>
    %dma_wait3A_338 = arith.constant 0 : i32
    %dma_wait3A_339 = tpu.memref_slice %arg4[%add3A_238, %dma_wait3A_338] : memref<32768x64xf32, #tpu.memory_space<hbm>> -> memref<128x64xf32, #tpu.memory_space<hbm>>
    %dma_wait3A_340 = arith.constant 768 : i32
    %dma_wait3A_341 = arith.constant 0 : i32
    %dma_wait3A_342 = tpu.memref_slice %arg6[%dma_wait3A_340, %dma_wait3A_341] : memref<1024x64xf32, #tpu.memory_space<vmem>> -> memref<128x64xf32, #tpu.memory_space<vmem>>
    tpu.wait_dma2 semaphore(%arg8 : memref<!tpu.dma_semaphore, #tpu.memory_space<semaphore_mem>>) src(%dma_wait3A_342 : memref<128x64xf32, #tpu.memory_space<vmem>>) dst(%dma_wait3A_339 : memref<128x64xf32, #tpu.memory_space<hbm>>)
    %dma_wait3A_343 = arith.constant 896 : i32
    %dma_wait3A_344 = arith.constant 0 : i32
    %dma_wait3A_345 = tpu.memref_slice %arg6[%dma_wait3A_343, %dma_wait3A_344] : memref<1024x64xf32, #tpu.memory_space<vmem>> -> memref<128x64xf32, #tpu.memory_space<vmem>>
    %dma_wait3A_346 = arith.constant 0 : i32
    %dma_wait3A_347 = tpu.memref_slice %arg4[%add3A_262, %dma_wait3A_346] : memref<32768x64xf32, #tpu.memory_space<hbm>> -> memref<128x64xf32, #tpu.memory_space<hbm>>
    %dma_wait3A_348 = arith.constant 0 : i32
    %dma_wait3A_349 = tpu.memref_slice %arg4[%add3A_262, %dma_wait3A_348] : memref<32768x64xf32, #tpu.memory_space<hbm>> -> memref<128x64xf32, #tpu.memory_space<hbm>>
    %dma_wait3A_350 = arith.constant 896 : i32
    %dma_wait3A_351 = arith.constant 0 : i32
    %dma_wait3A_352 = tpu.memref_slice %arg6[%dma_wait3A_350, %dma_wait3A_351] : memref<1024x64xf32, #tpu.memory_space<vmem>> -> memref<128x64xf32, #tpu.memory_space<vmem>>
    tpu.wait_dma2 semaphore(%arg8 : memref<!tpu.dma_semaphore, #tpu.memory_space<semaphore_mem>>) src(%dma_wait3A_352 : memref<128x64xf32, #tpu.memory_space<vmem>>) dst(%dma_wait3A_349 : memref<128x64xf32, #tpu.memory_space<hbm>>)
    return
  }
}

module attributes {stable_mosaic.version = 14 : i64} {
  func.func @_tc_body(%arg0: i32, %arg1: i32, %arg2: memref<1x512x64xf32, #tpu.memory_space<vmem>>, %arg3: memref<1x64x1024xf32, #tpu.memory_space<vmem>>, %arg4: memref<1x1x1024xf32, #tpu.memory_space<vmem>>, %arg5: memref<1x1024xf32, #tpu.memory_space<vmem>>, %arg6: memref<512xi32, #tpu.memory_space<vmem>>, %arg7: memref<1xf32, #tpu.memory_space<smem>>, %arg8: memref<1xf32, #tpu.memory_space<smem>>) attributes {dimension_semantics = [#tpu.dimension_semantics<arbitrary>, #tpu.dimension_semantics<arbitrary>], iteration_bounds = array<i64: 8, 8>, scalar_prefetch = 0 : i64, scratch_operands = 1 : i64, tpu.core_type = #tpu.core_type<tc>, window_params = [{transform_indices = @transform_0, window_bounds = array<i64: 1, 512, 64>}, {transform_indices = @transform_1, window_bounds = array<i64: 1, 64, 1024>}, {transform_indices = @transform_2, window_bounds = array<i64: 1, 1, 1024>}, {pipeline_mode = #tpu.pipeline_mode<synchronous>, transform_indices = @transform_3, window_bounds = array<i64: 1, 1024>}, {transform_indices = @transform_4, window_bounds = array<i64: 512>}, {transform_indices = @transform_5, window_bounds = array<i64: 1>}]} {
    %get3A = arith.constant 0 : index
    %get3A_0 = arith.constant 0 : index
    %get3A_1 = arith.constant 0 : index
    %get3A_2 = vector.load %arg2[%get3A, %get3A_0, %get3A_1] : memref<1x512x64xf32, #tpu.memory_space<vmem>>, vector<1x512x64xf32>
    %get3A_3 = vector.shape_cast %get3A_2 : vector<1x512x64xf32> to vector<512x64xf32>
    %mul3A = arith.mulf %get3A_3, %get3A_3 : vector<512x64xf32>
    %reduce_sum3A = arith.constant dense<0.000000e+00> : vector<512xf32>
    %reduce_sum3A_4 = vector.multi_reduction <add>, %mul3A, %reduce_sum3A [1] : vector<512x64xf32> to vector<512xf32>
    %broadcast_in_dim3A = vector.shape_cast %reduce_sum3A_4 : vector<512xf32> to vector<512x1xf32>
    %get3A_5 = arith.constant 0 : index
    %get3A_6 = arith.constant 0 : index
    %get3A_7 = arith.constant 0 : index
    %get3A_8 = vector.load %arg3[%get3A_5, %get3A_6, %get3A_7] : memref<1x64x1024xf32, #tpu.memory_space<vmem>>, vector<1x64x128xf32>
    %get3A_9 = vector.shape_cast %get3A_8 : vector<1x64x128xf32> to vector<64x128xf32>
    %dot_general3A = arith.constant dense<0.000000e+00> : vector<512x128xf32>
    %dot_general3A_10 = tpu.matmul %get3A_3, %get3A_9, %dot_general3A {dimension_numbers = #tpu.dot_dimension_numbers<[1], [0], [0], [1], [0, 0, 1, 1], [], []>, transpose_lhs_hint = false} : vector<512x64xf32>, vector<64x128xf32>, vector<512x128xf32> -> vector<512x128xf32>
    %sub3A = vector.broadcast %broadcast_in_dim3A : vector<512x1xf32> to vector<512x128xf32>
    %sub3A_11 = arith.subf %sub3A, %dot_general3A_10 : vector<512x128xf32>
    %get3A_12 = arith.constant 0 : index
    %get3A_13 = arith.constant 0 : index
    %get3A_14 = arith.constant 0 : index
    %get3A_15 = vector.load %arg4[%get3A_12, %get3A_13, %get3A_14] : memref<1x1x1024xf32, #tpu.memory_space<vmem>>, vector<1x1x128xf32>
    %get3A_16 = vector.shape_cast %get3A_15 : vector<1x1x128xf32> to vector<1x128xf32>
    %add3A = vector.broadcast %get3A_16 : vector<1x128xf32> to vector<512x128xf32>
    %add3A_17 = arith.addf %sub3A_11, %add3A : vector<512x128xf32>
    %get3A_18 = arith.constant 0 : index
    %get3A_19 = arith.constant 0 : index
    %get3A_20 = vector.load %arg5[%get3A_18, %get3A_19] : memref<1x1024xf32, #tpu.memory_space<vmem>>, vector<1x128xf32>
    %broadcast_in_dim3A_21 = vector.shape_cast %get3A_20 : vector<1x128xf32> to vector<1x128xf32>
    %broadcast_in_dim3A_22 = vector.broadcast %broadcast_in_dim3A_21 : vector<1x128xf32> to vector<512x128xf32>
    %get3A_23 = arith.constant 0 : index
    %get3A_24 = arith.constant 0 : index
    %get3A_25 = arith.constant 128 : index
    %get3A_26 = vector.load %arg3[%get3A_23, %get3A_24, %get3A_25] : memref<1x64x1024xf32, #tpu.memory_space<vmem>>, vector<1x64x128xf32>
    %get3A_27 = vector.shape_cast %get3A_26 : vector<1x64x128xf32> to vector<64x128xf32>
    %dot_general3A_28 = arith.constant dense<0.000000e+00> : vector<512x128xf32>
    %dot_general3A_29 = tpu.matmul %get3A_3, %get3A_27, %dot_general3A_28 {dimension_numbers = #tpu.dot_dimension_numbers<[1], [0], [0], [1], [0, 0, 1, 1], [], []>, transpose_lhs_hint = false} : vector<512x64xf32>, vector<64x128xf32>, vector<512x128xf32> -> vector<512x128xf32>
    %sub3A_30 = vector.broadcast %broadcast_in_dim3A : vector<512x1xf32> to vector<512x128xf32>
    %sub3A_31 = arith.subf %sub3A_30, %dot_general3A_29 : vector<512x128xf32>
    %get3A_32 = arith.constant 0 : index
    %get3A_33 = arith.constant 0 : index
    %get3A_34 = arith.constant 128 : index
    %get3A_35 = vector.load %arg4[%get3A_32, %get3A_33, %get3A_34] : memref<1x1x1024xf32, #tpu.memory_space<vmem>>, vector<1x1x128xf32>
    %get3A_36 = vector.shape_cast %get3A_35 : vector<1x1x128xf32> to vector<1x128xf32>
    %add3A_37 = vector.broadcast %get3A_36 : vector<1x128xf32> to vector<512x128xf32>
    %add3A_38 = arith.addf %sub3A_31, %add3A_37 : vector<512x128xf32>
    %get3A_39 = arith.constant 0 : index
    %get3A_40 = arith.constant 128 : index
    %get3A_41 = vector.load %arg5[%get3A_39, %get3A_40] : memref<1x1024xf32, #tpu.memory_space<vmem>>, vector<1x128xf32>
    %lt3A = arith.cmpf olt, %add3A_38, %add3A_17 : vector<512x128xf32>
    %broadcast_in_dim3A_42 = vector.shape_cast %get3A_41 : vector<1x128xf32> to vector<1x128xf32>
    %broadcast_in_dim3A_43 = vector.broadcast %broadcast_in_dim3A_42 : vector<1x128xf32> to vector<512x128xf32>
    %select_n3A = arith.select %lt3A, %broadcast_in_dim3A_43, %broadcast_in_dim3A_22 : vector<512x128xi1>, vector<512x128xf32>
    %min3A = arith.minimumf %add3A_38, %add3A_17 : vector<512x128xf32>
    %get3A_44 = arith.constant 0 : index
    %get3A_45 = arith.constant 0 : index
    %get3A_46 = arith.constant 256 : index
    %get3A_47 = vector.load %arg3[%get3A_44, %get3A_45, %get3A_46] : memref<1x64x1024xf32, #tpu.memory_space<vmem>>, vector<1x64x128xf32>
    %get3A_48 = vector.shape_cast %get3A_47 : vector<1x64x128xf32> to vector<64x128xf32>
    %dot_general3A_49 = arith.constant dense<0.000000e+00> : vector<512x128xf32>
    %dot_general3A_50 = tpu.matmul %get3A_3, %get3A_48, %dot_general3A_49 {dimension_numbers = #tpu.dot_dimension_numbers<[1], [0], [0], [1], [0, 0, 1, 1], [], []>, transpose_lhs_hint = false} : vector<512x64xf32>, vector<64x128xf32>, vector<512x128xf32> -> vector<512x128xf32>
    %sub3A_51 = vector.broadcast %broadcast_in_dim3A : vector<512x1xf32> to vector<512x128xf32>
    %sub3A_52 = arith.subf %sub3A_51, %dot_general3A_50 : vector<512x128xf32>
    %get3A_53 = arith.constant 0 : index
    %get3A_54 = arith.constant 0 : index
    %get3A_55 = arith.constant 256 : index
    %get3A_56 = vector.load %arg4[%get3A_53, %get3A_54, %get3A_55] : memref<1x1x1024xf32, #tpu.memory_space<vmem>>, vector<1x1x128xf32>
    %get3A_57 = vector.shape_cast %get3A_56 : vector<1x1x128xf32> to vector<1x128xf32>
    %add3A_58 = vector.broadcast %get3A_57 : vector<1x128xf32> to vector<512x128xf32>
    %add3A_59 = arith.addf %sub3A_52, %add3A_58 : vector<512x128xf32>
    %get3A_60 = arith.constant 0 : index
    %get3A_61 = arith.constant 256 : index
    %get3A_62 = vector.load %arg5[%get3A_60, %get3A_61] : memref<1x1024xf32, #tpu.memory_space<vmem>>, vector<1x128xf32>
    %lt3A_63 = arith.cmpf olt, %add3A_59, %min3A : vector<512x128xf32>
    %broadcast_in_dim3A_64 = vector.shape_cast %get3A_62 : vector<1x128xf32> to vector<1x128xf32>
    %broadcast_in_dim3A_65 = vector.broadcast %broadcast_in_dim3A_64 : vector<1x128xf32> to vector<512x128xf32>
    %select_n3A_66 = arith.select %lt3A_63, %broadcast_in_dim3A_65, %select_n3A : vector<512x128xi1>, vector<512x128xf32>
    %min3A_67 = arith.minimumf %add3A_59, %min3A : vector<512x128xf32>
    %get3A_68 = arith.constant 0 : index
    %get3A_69 = arith.constant 0 : index
    %get3A_70 = arith.constant 384 : index
    %get3A_71 = vector.load %arg3[%get3A_68, %get3A_69, %get3A_70] : memref<1x64x1024xf32, #tpu.memory_space<vmem>>, vector<1x64x128xf32>
    %get3A_72 = vector.shape_cast %get3A_71 : vector<1x64x128xf32> to vector<64x128xf32>
    %dot_general3A_73 = arith.constant dense<0.000000e+00> : vector<512x128xf32>
    %dot_general3A_74 = tpu.matmul %get3A_3, %get3A_72, %dot_general3A_73 {dimension_numbers = #tpu.dot_dimension_numbers<[1], [0], [0], [1], [0, 0, 1, 1], [], []>, transpose_lhs_hint = false} : vector<512x64xf32>, vector<64x128xf32>, vector<512x128xf32> -> vector<512x128xf32>
    %sub3A_75 = vector.broadcast %broadcast_in_dim3A : vector<512x1xf32> to vector<512x128xf32>
    %sub3A_76 = arith.subf %sub3A_75, %dot_general3A_74 : vector<512x128xf32>
    %get3A_77 = arith.constant 0 : index
    %get3A_78 = arith.constant 0 : index
    %get3A_79 = arith.constant 384 : index
    %get3A_80 = vector.load %arg4[%get3A_77, %get3A_78, %get3A_79] : memref<1x1x1024xf32, #tpu.memory_space<vmem>>, vector<1x1x128xf32>
    %get3A_81 = vector.shape_cast %get3A_80 : vector<1x1x128xf32> to vector<1x128xf32>
    %add3A_82 = vector.broadcast %get3A_81 : vector<1x128xf32> to vector<512x128xf32>
    %add3A_83 = arith.addf %sub3A_76, %add3A_82 : vector<512x128xf32>
    %get3A_84 = arith.constant 0 : index
    %get3A_85 = arith.constant 384 : index
    %get3A_86 = vector.load %arg5[%get3A_84, %get3A_85] : memref<1x1024xf32, #tpu.memory_space<vmem>>, vector<1x128xf32>
    %lt3A_87 = arith.cmpf olt, %add3A_83, %min3A_67 : vector<512x128xf32>
    %broadcast_in_dim3A_88 = vector.shape_cast %get3A_86 : vector<1x128xf32> to vector<1x128xf32>
    %broadcast_in_dim3A_89 = vector.broadcast %broadcast_in_dim3A_88 : vector<1x128xf32> to vector<512x128xf32>
    %select_n3A_90 = arith.select %lt3A_87, %broadcast_in_dim3A_89, %select_n3A_66 : vector<512x128xi1>, vector<512x128xf32>
    %min3A_91 = arith.minimumf %add3A_83, %min3A_67 : vector<512x128xf32>
    %get3A_92 = arith.constant 0 : index
    %get3A_93 = arith.constant 0 : index
    %get3A_94 = arith.constant 512 : index
    %get3A_95 = vector.load %arg3[%get3A_92, %get3A_93, %get3A_94] : memref<1x64x1024xf32, #tpu.memory_space<vmem>>, vector<1x64x128xf32>
    %get3A_96 = vector.shape_cast %get3A_95 : vector<1x64x128xf32> to vector<64x128xf32>
    %dot_general3A_97 = arith.constant dense<0.000000e+00> : vector<512x128xf32>
    %dot_general3A_98 = tpu.matmul %get3A_3, %get3A_96, %dot_general3A_97 {dimension_numbers = #tpu.dot_dimension_numbers<[1], [0], [0], [1], [0, 0, 1, 1], [], []>, transpose_lhs_hint = false} : vector<512x64xf32>, vector<64x128xf32>, vector<512x128xf32> -> vector<512x128xf32>
    %sub3A_99 = vector.broadcast %broadcast_in_dim3A : vector<512x1xf32> to vector<512x128xf32>
    %sub3A_100 = arith.subf %sub3A_99, %dot_general3A_98 : vector<512x128xf32>
    %get3A_101 = arith.constant 0 : index
    %get3A_102 = arith.constant 0 : index
    %get3A_103 = arith.constant 512 : index
    %get3A_104 = vector.load %arg4[%get3A_101, %get3A_102, %get3A_103] : memref<1x1x1024xf32, #tpu.memory_space<vmem>>, vector<1x1x128xf32>
    %get3A_105 = vector.shape_cast %get3A_104 : vector<1x1x128xf32> to vector<1x128xf32>
    %add3A_106 = vector.broadcast %get3A_105 : vector<1x128xf32> to vector<512x128xf32>
    %add3A_107 = arith.addf %sub3A_100, %add3A_106 : vector<512x128xf32>
    %get3A_108 = arith.constant 0 : index
    %get3A_109 = arith.constant 512 : index
    %get3A_110 = vector.load %arg5[%get3A_108, %get3A_109] : memref<1x1024xf32, #tpu.memory_space<vmem>>, vector<1x128xf32>
    %lt3A_111 = arith.cmpf olt, %add3A_107, %min3A_91 : vector<512x128xf32>
    %broadcast_in_dim3A_112 = vector.shape_cast %get3A_110 : vector<1x128xf32> to vector<1x128xf32>
    %broadcast_in_dim3A_113 = vector.broadcast %broadcast_in_dim3A_112 : vector<1x128xf32> to vector<512x128xf32>
    %select_n3A_114 = arith.select %lt3A_111, %broadcast_in_dim3A_113, %select_n3A_90 : vector<512x128xi1>, vector<512x128xf32>
    %min3A_115 = arith.minimumf %add3A_107, %min3A_91 : vector<512x128xf32>
    %get3A_116 = arith.constant 0 : index
    %get3A_117 = arith.constant 0 : index
    %get3A_118 = arith.constant 640 : index
    %get3A_119 = vector.load %arg3[%get3A_116, %get3A_117, %get3A_118] : memref<1x64x1024xf32, #tpu.memory_space<vmem>>, vector<1x64x128xf32>
    %get3A_120 = vector.shape_cast %get3A_119 : vector<1x64x128xf32> to vector<64x128xf32>
    %dot_general3A_121 = arith.constant dense<0.000000e+00> : vector<512x128xf32>
    %dot_general3A_122 = tpu.matmul %get3A_3, %get3A_120, %dot_general3A_121 {dimension_numbers = #tpu.dot_dimension_numbers<[1], [0], [0], [1], [0, 0, 1, 1], [], []>, transpose_lhs_hint = false} : vector<512x64xf32>, vector<64x128xf32>, vector<512x128xf32> -> vector<512x128xf32>
    %sub3A_123 = vector.broadcast %broadcast_in_dim3A : vector<512x1xf32> to vector<512x128xf32>
    %sub3A_124 = arith.subf %sub3A_123, %dot_general3A_122 : vector<512x128xf32>
    %get3A_125 = arith.constant 0 : index
    %get3A_126 = arith.constant 0 : index
    %get3A_127 = arith.constant 640 : index
    %get3A_128 = vector.load %arg4[%get3A_125, %get3A_126, %get3A_127] : memref<1x1x1024xf32, #tpu.memory_space<vmem>>, vector<1x1x128xf32>
    %get3A_129 = vector.shape_cast %get3A_128 : vector<1x1x128xf32> to vector<1x128xf32>
    %add3A_130 = vector.broadcast %get3A_129 : vector<1x128xf32> to vector<512x128xf32>
    %add3A_131 = arith.addf %sub3A_124, %add3A_130 : vector<512x128xf32>
    %get3A_132 = arith.constant 0 : index
    %get3A_133 = arith.constant 640 : index
    %get3A_134 = vector.load %arg5[%get3A_132, %get3A_133] : memref<1x1024xf32, #tpu.memory_space<vmem>>, vector<1x128xf32>
    %lt3A_135 = arith.cmpf olt, %add3A_131, %min3A_115 : vector<512x128xf32>
    %broadcast_in_dim3A_136 = vector.shape_cast %get3A_134 : vector<1x128xf32> to vector<1x128xf32>
    %broadcast_in_dim3A_137 = vector.broadcast %broadcast_in_dim3A_136 : vector<1x128xf32> to vector<512x128xf32>
    %select_n3A_138 = arith.select %lt3A_135, %broadcast_in_dim3A_137, %select_n3A_114 : vector<512x128xi1>, vector<512x128xf32>
    %min3A_139 = arith.minimumf %add3A_131, %min3A_115 : vector<512x128xf32>
    %get3A_140 = arith.constant 0 : index
    %get3A_141 = arith.constant 0 : index
    %get3A_142 = arith.constant 768 : index
    %get3A_143 = vector.load %arg3[%get3A_140, %get3A_141, %get3A_142] : memref<1x64x1024xf32, #tpu.memory_space<vmem>>, vector<1x64x128xf32>
    %get3A_144 = vector.shape_cast %get3A_143 : vector<1x64x128xf32> to vector<64x128xf32>
    %dot_general3A_145 = arith.constant dense<0.000000e+00> : vector<512x128xf32>
    %dot_general3A_146 = tpu.matmul %get3A_3, %get3A_144, %dot_general3A_145 {dimension_numbers = #tpu.dot_dimension_numbers<[1], [0], [0], [1], [0, 0, 1, 1], [], []>, transpose_lhs_hint = false} : vector<512x64xf32>, vector<64x128xf32>, vector<512x128xf32> -> vector<512x128xf32>
    %sub3A_147 = vector.broadcast %broadcast_in_dim3A : vector<512x1xf32> to vector<512x128xf32>
    %sub3A_148 = arith.subf %sub3A_147, %dot_general3A_146 : vector<512x128xf32>
    %get3A_149 = arith.constant 0 : index
    %get3A_150 = arith.constant 0 : index
    %get3A_151 = arith.constant 768 : index
    %get3A_152 = vector.load %arg4[%get3A_149, %get3A_150, %get3A_151] : memref<1x1x1024xf32, #tpu.memory_space<vmem>>, vector<1x1x128xf32>
    %get3A_153 = vector.shape_cast %get3A_152 : vector<1x1x128xf32> to vector<1x128xf32>
    %add3A_154 = vector.broadcast %get3A_153 : vector<1x128xf32> to vector<512x128xf32>
    %add3A_155 = arith.addf %sub3A_148, %add3A_154 : vector<512x128xf32>
    %get3A_156 = arith.constant 0 : index
    %get3A_157 = arith.constant 768 : index
    %get3A_158 = vector.load %arg5[%get3A_156, %get3A_157] : memref<1x1024xf32, #tpu.memory_space<vmem>>, vector<1x128xf32>
    %lt3A_159 = arith.cmpf olt, %add3A_155, %min3A_139 : vector<512x128xf32>
    %broadcast_in_dim3A_160 = vector.shape_cast %get3A_158 : vector<1x128xf32> to vector<1x128xf32>
    %broadcast_in_dim3A_161 = vector.broadcast %broadcast_in_dim3A_160 : vector<1x128xf32> to vector<512x128xf32>
    %select_n3A_162 = arith.select %lt3A_159, %broadcast_in_dim3A_161, %select_n3A_138 : vector<512x128xi1>, vector<512x128xf32>
    %min3A_163 = arith.minimumf %add3A_155, %min3A_139 : vector<512x128xf32>
    %get3A_164 = arith.constant 0 : index
    %get3A_165 = arith.constant 0 : index
    %get3A_166 = arith.constant 896 : index
    %get3A_167 = vector.load %arg3[%get3A_164, %get3A_165, %get3A_166] : memref<1x64x1024xf32, #tpu.memory_space<vmem>>, vector<1x64x128xf32>
    %get3A_168 = vector.shape_cast %get3A_167 : vector<1x64x128xf32> to vector<64x128xf32>
    %dot_general3A_169 = arith.constant dense<0.000000e+00> : vector<512x128xf32>
    %dot_general3A_170 = tpu.matmul %get3A_3, %get3A_168, %dot_general3A_169 {dimension_numbers = #tpu.dot_dimension_numbers<[1], [0], [0], [1], [0, 0, 1, 1], [], []>, transpose_lhs_hint = false} : vector<512x64xf32>, vector<64x128xf32>, vector<512x128xf32> -> vector<512x128xf32>
    %sub3A_171 = vector.broadcast %broadcast_in_dim3A : vector<512x1xf32> to vector<512x128xf32>
    %sub3A_172 = arith.subf %sub3A_171, %dot_general3A_170 : vector<512x128xf32>
    %get3A_173 = arith.constant 0 : index
    %get3A_174 = arith.constant 0 : index
    %get3A_175 = arith.constant 896 : index
    %get3A_176 = vector.load %arg4[%get3A_173, %get3A_174, %get3A_175] : memref<1x1x1024xf32, #tpu.memory_space<vmem>>, vector<1x1x128xf32>
    %get3A_177 = vector.shape_cast %get3A_176 : vector<1x1x128xf32> to vector<1x128xf32>
    %add3A_178 = vector.broadcast %get3A_177 : vector<1x128xf32> to vector<512x128xf32>
    %add3A_179 = arith.addf %sub3A_172, %add3A_178 : vector<512x128xf32>
    %get3A_180 = arith.constant 0 : index
    %get3A_181 = arith.constant 896 : index
    %get3A_182 = vector.load %arg5[%get3A_180, %get3A_181] : memref<1x1024xf32, #tpu.memory_space<vmem>>, vector<1x128xf32>
    %lt3A_183 = arith.cmpf olt, %add3A_179, %min3A_163 : vector<512x128xf32>
    %broadcast_in_dim3A_184 = vector.shape_cast %get3A_182 : vector<1x128xf32> to vector<1x128xf32>
    %broadcast_in_dim3A_185 = vector.broadcast %broadcast_in_dim3A_184 : vector<1x128xf32> to vector<512x128xf32>
    %select_n3A_186 = arith.select %lt3A_183, %broadcast_in_dim3A_185, %select_n3A_162 : vector<512x128xi1>, vector<512x128xf32>
    %min3A_187 = arith.minimumf %add3A_179, %min3A_163 : vector<512x128xf32>
    %reduce_min3A = arith.constant dense<0x7F800000> : vector<512xf32>
    %reduce_min3A_188 = vector.multi_reduction <minimumf>, %min3A_187, %reduce_min3A [1] : vector<512x128xf32> to vector<512xf32>
    %broadcast_in_dim3A_189 = vector.shape_cast %reduce_min3A_188 : vector<512xf32> to vector<512x1xf32>
    %eq3A = vector.broadcast %broadcast_in_dim3A_189 : vector<512x1xf32> to vector<512x128xf32>
    %eq3A_190 = arith.cmpf oeq, %min3A_187, %eq3A : vector<512x128xf32>
    %jit3A = arith.constant 2.048000e+03 : f32
    %broadcast_in_dim3A_191 = vector.broadcast %jit3A : f32 to vector<512x128xf32>
    %select_n3A_192 = arith.select %eq3A_190, %select_n3A_186, %broadcast_in_dim3A_191 : vector<512x128xi1>, vector<512x128xf32>
    %reduce_min3A_193 = arith.constant dense<0x7F800000> : vector<512xf32>
    %reduce_min3A_194 = vector.multi_reduction <minimumf>, %select_n3A_192, %reduce_min3A_193 [1] : vector<512x128xf32> to vector<512xf32>
    %convert_element_type3A = arith.fptosi %reduce_min3A_194 : vector<512xf32> to vector<512xi32>
    %mul3A_195 = arith.constant 1024 : i32
    %mul3A_196 = arith.muli %arg0, %mul3A_195 : i32
    %add3A_197 = vector.broadcast %mul3A_196 : i32 to vector<512xi32>
    %add3A_198 = arith.addi %convert_element_type3A, %add3A_197 : vector<512xi32>
    %swap3A = arith.constant 0 : index
    %swap3A_199 = vector.load %arg6[%swap3A] : memref<512xi32, #tpu.memory_space<vmem>>, vector<512xi32>
    tpu.vector_store %arg6[%swap3A], %add3A_198 {strides = array<i32>} : memref<512xi32, #tpu.memory_space<vmem>>, vector<512xi32>,
    %eq3A_200 = arith.constant 0 : i32
    %eq3A_201 = arith.cmpi eq, %arg0, %eq3A_200 : i32
    %eq3A_202 = arith.constant 0 : i32
    %eq3A_203 = arith.cmpi eq, %arg1, %eq3A_202 : i32
    %and3A = arith.andi %eq3A_201, %eq3A_203 : i1
    %convert_element_type3A_204 = arith.extui %and3A : i1 to i32
    %cond3A = arith.constant 0 : i32
    %cond3A_205 = arith.cmpi ne, %convert_element_type3A_204, %cond3A : i32
    scf.if %cond3A_205 {
      %swap3A_224 = arith.constant 0.000000e+00 : f32
      %swap3A_225 = arith.constant 0 : index
      %swap3A_226 = memref.load %arg8[%swap3A_225] : memref<1xf32, #tpu.memory_space<smem>>
      memref.store %swap3A_224, %arg8[%swap3A_225] : memref<1xf32, #tpu.memory_space<smem>>
    } else {
    }
    %get3A_206 = arith.constant 0 : index
    %get3A_207 = memref.load %arg8[%get3A_206] : memref<1xf32, #tpu.memory_space<smem>>
    %reduce_sum3A_208 = vector.shape_cast %broadcast_in_dim3A_189 : vector<512x1xf32> to vector<1x512x1xf32>
    %reduce_sum3A_209 = arith.constant dense<0.000000e+00> : vector<1xf32>
    %reduce_sum3A_210 = vector.multi_reduction <add>, %reduce_sum3A_208, %reduce_sum3A_209 [1, 2] : vector<1x512x1xf32> to vector<1xf32>
    %reduce_sum3A_211 = vector.shape_cast %reduce_sum3A_210 : vector<1xf32> to vector<1x1x1xf32>
    %reduce_sum3A_212 = vector.extract %reduce_sum3A_211[0, 0, 0] : f32 from vector<1x1x1xf32>
    %add3A_213 = arith.addf %get3A_207, %reduce_sum3A_212 : f32
    %swap3A_214 = arith.constant 0 : index
    %swap3A_215 = memref.load %arg8[%swap3A_214] : memref<1xf32, #tpu.memory_space<smem>>
    memref.store %add3A_213, %arg8[%swap3A_214] : memref<1xf32, #tpu.memory_space<smem>>
    %eq3A_216 = arith.constant 7 : i32
    %eq3A_217 = arith.cmpi eq, %arg0, %eq3A_216 : i32
    %eq3A_218 = arith.constant 7 : i32
    %eq3A_219 = arith.cmpi eq, %arg1, %eq3A_218 : i32
    %and3A_220 = arith.andi %eq3A_217, %eq3A_219 : i1
    %convert_element_type3A_221 = arith.extui %and3A_220 : i1 to i32
    %cond3A_222 = arith.constant 0 : i32
    %cond3A_223 = arith.cmpi ne, %convert_element_type3A_221, %cond3A_222 : i32
    scf.if %cond3A_223 {
      %get3A_224 = arith.constant 0 : index
      %get3A_225 = memref.load %arg8[%get3A_224] : memref<1xf32, #tpu.memory_space<smem>>
      %mul3A_226 = arith.constant 5.96046448E-7 : f32
      %mul3A_227 = arith.mulf %get3A_225, %mul3A_226 : f32
      %swap3A_228 = arith.constant 0 : index
      %swap3A_229 = memref.load %arg7[%swap3A_228] : memref<1xf32, #tpu.memory_space<smem>>
      memref.store %mul3A_227, %arg7[%swap3A_228] : memref<1xf32, #tpu.memory_space<smem>>
    } else {
    }
    return
  }
  func.func @transform_0(%arg0: i32, %arg1: i32) -> (i32, i32, i32) {
    %c0_i32 = arith.constant 0 : i32
    %c0_i32_0 = arith.constant 0 : i32
    return %arg0, %arg1, %c0_i32 : i32, i32, i32
  }
  func.func @transform_1(%arg0: i32, %arg1: i32) -> (i32, i32, i32) {
    %c0_i32 = arith.constant 0 : i32
    %c0_i32_0 = arith.constant 0 : i32
    %c0_i32_1 = arith.constant 0 : i32
    return %arg0, %c0_i32, %c0_i32_0 : i32, i32, i32
  }
  func.func @transform_2(%arg0: i32, %arg1: i32) -> (i32, i32, i32) {
    %c0_i32 = arith.constant 0 : i32
    %c0_i32_0 = arith.constant 0 : i32
    %c0_i32_1 = arith.constant 0 : i32
    return %arg0, %c0_i32, %c0_i32_0 : i32, i32, i32
  }
  func.func @transform_3(%arg0: i32, %arg1: i32) -> (i32, i32) {
    %c0_i32 = arith.constant 0 : i32
    %c0_i32_0 = arith.constant 0 : i32
    %c0_i32_1 = arith.constant 0 : i32
    return %c0_i32, %c0_i32_0 : i32, i32
  }
  func.func @transform_4(%arg0: i32, %arg1: i32) -> i32 {
    %mul3A = arith.constant 8 : i32
    %mul3A_0 = arith.muli %arg0, %mul3A : i32
    %add3A = arith.addi %mul3A_0, %arg1 : i32
    %c0_i32 = arith.constant 0 : i32
    return %add3A : i32
  }
  func.func @transform_5(%arg0: i32, %arg1: i32) -> i32 {
    %c0_i32 = arith.constant 0 : i32
    %c0_i32_0 = arith.constant 0 : i32
    return %c0_i32 : i32
  }
}

</mosaic_0001>

<sc_bundles>
// kernel: kernel.4.cloned.1.call-start
scs
__scs_entry_jumppad:
0x0: {  	(pc) =	sbr.rel $0x88, $3  }
0x1: {  	(tag) =	ssettag $0x0;
	lr =	simm.s32 $0x1  }
0x2: {  	[smem:$0x3F9F] =	sst lr;
	_ =	strace $0xD0000000  }
0x3: {  	_ = 	snop  }
0x4: {  	_ = 	snop  }
0x5: {  	_ = 	snop  }
0x6: {  	_ = 	snop  }
0x7: {  	_ = 	snop  }
__scs_overlays_trampoline_lowered:
0x8: {  	[smem:$0x3FAE] =	sst s0  }
0x9: {  	[smem:$0x3FAF] =	sst s1  }
0xa: {  	[smem:$0x3FB0] =	sst s2  }
0xb: {  	[smem:$0x3FB1] =	sst s3  }
0xc: {  	[smem:$0x3FB2] =	sst s4  }
0xd: {  	[smem:$0x3FB3] =	sst s5  }
0xe: {  	[smem:$0x3FB4] =	sst s6  }
0xf: {  	[smem:$0x3FB5] =	sst s7  }
0x10: {  	[smem:$0x3FB6] =	sst s8  }
0x11: {  	[smem:$0x3FB7] =	sst s9;
	s0 =	simm.s32 @!p0 $0x0  }
0x12: {  	s1 =	sld [smem:$0x3F9D];
	s0 =	simm.s32 @p0 $0x1  }
0x13: {  	[smem:$0x3FB8] =	sst s0;
	s0 =	simm.s32 @!p1 $0x0  }
0x14: {  	s2 =	sld [smem:$0x3F9C];
	s0 =	simm.s32 @p1 $0x1  }
0x15: {  	[smem:$0x3FB9] =	sst s0;
	s0 =	simm.s32 @!p2 $0x0  }
0x16: {  	s3 =	sld [smem:$0x3FDB];
	s0 =	simm.s32 @p2 $0x1  }
0x17: {  	s4 =	simm.s32 $0x1BF5;
	[smem:$0x3FBB] =	sst s0  }
0x18: {  	s0 =	sld [smem:$0x3F9E];
	_ =	swait.ge [sflag:s4], $0x0  }
0x19: {  	s7 =	sld [smem:$0x3F9F]  }
0x1a: {  	s8 =	sadd.s32 $0xFFFFE003, lr  }
0x1b: {  	s9 =	sadd.s32 $0xFFFFFEF7, lr;
	s5 =	simm.s32 $0xFFFFFFFF;
	p2 =	slt.u32 s8, $0xFFFFF086  }
0x1c: {  	p1 =	slt.u32 s9, $0xF7A;
	s5 =	simm.s32 @!p2 $0x0  }
0x1d: {  	s5 =	simm.s32 @p1 $0x1;
	p0 =	seq.s32 s7, s2  }
0x1e: {  	s7 =	smul.u32 @!p0 $0xF7A, s2;
	p2 =	seq.s32 @!p0 s5, $0x0  }
0x1f: {  	s9 =	smul.u32 $0xF7A, s1;
	s8 =	simm.s32 @!p0 $0x1BF5;
	p2 =	por !p2, p0  }
0x20: {  	[sflag:s8] =	ssyncset.s32 @!p0 $0xFFFFF086;
	s6 =	sadd.s32 @!p0 s3, s7;
	s7 =	simm.s32 @!p0 $0x108  }
0x21: {  	s3 =	sadd.s32 s3, s9;
	s6 =	sadd.s32 @!p0 $0x88, s6;
	s7 =	simm.s32 @p2 $0x1082  }
0x22: {  	[simem:s7], [sflag:s8] =	dma.local @!p0 [hbm:s6], $0xF7A  }
0x23: {  	s9 =	sor.u32 $0xD0000000, s2;
	s6 =	simm.s32 $0x108;
	_ =	swait.ge @!p0 [sflag:s8], $0x0  }
0x24: {  	s3 =	sadd.s32 $0x88, s3;
	s6 =	simm.s32 @!p1 $0x1082;
	[sflag:s4] =	ssyncset.s32 $0xFFFFF086  }
0x25: {  	[simem:s6], [sflag:s4] =	dma.local [hbm:s3], $0xF7A  }
0x26: {  	[smem:$0x3F9F] =	sst s1;
	(tag) =	ssettag s2;
	_ =	strace s9  }
0x27: {  	s1 =	sld [smem:$0x3FAF]  }
0x28: {  	s2 =	sld [smem:$0x3FB0]  }
0x29: {  	s4 =	sld [smem:$0x3FB2]  }
0x2a: {  	p0 =	seq.s32 s5, $0x0;
	s5 =	sld [smem:$0x3FB3]  }
0x2b: {  	s6 =	sld [smem:$0x3FB4]  }
0x2c: {  	s7 =	sld [smem:$0x3FB5]  }
0x2d: {  	s3 =	simm.s32 $0x108;
	s8 =	sld [smem:$0x3FB6]  }
0x2e: {  	s3 =	simm.s32 @!p0 $0x1082;
	s9 =	sld [smem:$0x3FB7]  }
0x2f: {  	lr =	sadd.s32 s0, s3;
	s0 =	sld [smem:$0x3FAE]  }
0x30: {  	s3 =	sld [smem:$0x3FB1]  }
0x31: {  	[smem:$0x3FBA] =	sst s10  }
0x32: {  	s10 =	sld [smem:$0x3FB8];
	_ =	sdelay $0x3  }
0x33: {  	p0 =	seq.s32 s10, $0x1;
	s10 =	sld [smem:$0x3FBA];
	_ =	sdelay $0x3  }
0x34: {  	[smem:$0x3FBA] =	sst s10  }
0x35: {  	s10 =	sld [smem:$0x3FB9];
	_ =	sdelay $0x3  }
0x36: {  	p1 =	seq.s32 s10, $0x1;
	s10 =	sld [smem:$0x3FBA];
	_ =	sdelay $0x3  }
0x37: {  	[smem:$0x3FBA] =	sst s10  }
0x38: {  	s10 =	sld [smem:$0x3FBB]  }
0x39: {  	_ = 	snop;
	(pc) =	sbr.ind lr, $3  }
0x3a: {  	_ = 	snop  }
0x3b: {  	_ = 	snop  }
0x3c: {  	p2 =	seq.s32 s10, $0x1;
	s10 =	sld [smem:$0x3FBA]  }
0x3d: {  	_ =	shalt  }
0x3e: {  	_ =	shalt  }
0x3f: {  	_ =	shalt  }
0x40: {  	_ =	shalt  }
0x41: {  	_ =	shalt  }
0x42: {  	_ =	shalt  }
0x43: {  	_ =	shalt  }
0x44: {  	_ =	shalt  }
0x45: {  	_ =	shalt  }
0x46: {  	_ =	shalt  }
0x47: {  	_ =	shalt  }
0x48: {  	_ =	shalt  }
0x49: {  	_ =	shalt  }
0x4a: {  	_ =	shalt  }
0x4b: {  	_ =	shalt  }
0x4c: {  	_ =	shalt  }
0x4d: {  	_ =	shalt  }
0x4e: {  	_ =	shalt  }
0x4f: {  	_ =	shalt  }
0x50: {  	_ =	shalt  }
0x51: {  	_ =	shalt  }
0x52: {  	_ =	shalt  }
0x53: {  	_ =	shalt  }
0x54: {  	_ =	shalt  }
0x55: {  	_ =	shalt  }
0x56: {  	_ =	shalt  }
0x57: {  	_ =	shalt  }
0x58: {  	_ =	shalt  }
0x59: {  	_ =	shalt  }
0x5a: {  	_ =	shalt  }
0x5b: {  	_ =	shalt  }
0x5c: {  	_ =	shalt  }
0x5d: {  	_ =	shalt  }
0x5e: {  	_ =	shalt  }
0x5f: {  	_ =	shalt  }
0x60: {  	_ =	shalt  }
0x61: {  	_ =	shalt  }
0x62: {  	_ =	shalt  }
0x63: {  	_ =	shalt  }
0x64: {  	_ =	shalt  }
0x65: {  	_ =	shalt  }
0x66: {  	_ =	shalt  }
0x67: {  	_ =	shalt  }
0x68: {  	_ =	shalt  }
0x69: {  	_ =	shalt  }
0x6a: {  	_ =	shalt  }
0x6b: {  	_ =	shalt  }
0x6c: {  	_ =	shalt  }
0x6d: {  	_ =	shalt  }
0x6e: {  	_ =	shalt  }
0x6f: {  	_ =	shalt  }
0x70: {  	_ =	shalt  }
0x71: {  	_ =	shalt  }
0x72: {  	_ =	shalt  }
0x73: {  	_ =	shalt  }
0x74: {  	_ =	shalt  }
0x75: {  	_ =	shalt  }
0x76: {  	_ =	shalt  }
0x77: {  	_ =	shalt  }
0x78: {  	_ =	shalt  }
0x79: {  	_ =	shalt  }
0x7a: {  	_ =	shalt  }
0x7b: {  	_ =	shalt  }
0x7c: {  	_ =	shalt  }
0x7d: {  	_ =	shalt  }
0x7e: {  	_ =	shalt  }
0x7f: {  	_ =	shalt  }
0x80: {  	_ =	shalt  }
0x81: {  	_ =	shalt  }
0x82: {  	_ =	shalt  }
0x83: {  	_ =	shalt  }
0x84: {  	_ =	shalt  }
0x85: {  	_ =	shalt  }
0x86: {  	_ =	shalt  }
0x87: {  	_ =	shalt  }
.Lfunc_end0:
.L_simem_size_0:
called_computation_lowered:
.L_overlay_start_0:
0x88: {  	s2 =	sld [smem:$0x3FD9]  }
0x89: {  	s3 =	sld [smem:$0x3FFE];
	_ =	sdelay $0x1  }
0x8a: {  	s1 =	srdreg.scid  }
0x8b: {  	s0 =	sand.u32 $0x1, s1  }
0x8c: {  	s14 =	sshll.u32 s0, $0xA;
	s2 =	sadd.s32 s3, s2  }
0x8d: {  	s2 =	sadd.s32 s2, s14  }
0x8e: {  	[smem:$0x3FC6] =	sst s2  }
0x8f: {  	_ = 	snop  }
0x90: {  	s2 =	sld [smem:$0x3FD0];
	_ =	sdelay $0x2  }
0x91: {  	s15 =	simm.s32 $0xA;
	s4 =	simm.s32 $0x10  }
0x92: {  	[smem:s4], [sflag:s15] =	dma.local [hbm:s2], $0x1  }
0x93: {  	_ =	swait.eq [sflag:s15], $0x1  }
0x94: {  	[sflag:s15] =	ssyncset.done $0x0  }
0x95: {  	[sflag:s15] =	ssyncadd.s32 $0xFFFFFFFF  }
0x96: {  	s16 =	sld [smem:$0x10];
	(tm) =	ssettm $0x1  }
0x97: {  	s17 =	sld [smem:$0x3FFB];
	_ =	sdelay $0x3  }
0x98: {  	_ =	strace s17  }
0x99: {  	s3 =	sld [smem:$0x3FFC];
	_ =	sdelay $0x3  }
0x9a: {  	_ =	strace s3  }
0x9b: {  	s3 =	sld [smem:$0x3FFD];
	_ =	sdelay $0x3  }
0x9c: {  	_ =	strace s3  }
0x9d: {  	_ =	strace $0x8FFFFFFF  }
0x9e: {  	s18 =	sld [smem:$0x3FDB];
	_ =	sdelay $0x1  }
0x9f: {  	s19 =	simm.s32 $_scs_section_size  }
0xa0: {  	s5 =	simm.s32 $_size__tile_overlayer_lowered;
	s6 =	simm.s32 $_tile_overlayer_lowered  }
0xa1: {  	s22 =	simm.s32 $0x1BFF;
	s21 =	sshll.u32 s6, $0x1;
	s3 =	sadd.s32 s19, s18  }
0xa2: {  	s7 =	simm.s32 $0x0;
	s20 =	sshll.u32 s5, $0x1;
	s5 =	sadd.s32 s21, s3  }
0xa3: {  	[timem:s7], [sflag:s22] =	dma.local [hbm:s5], s20  }
0xa4: {  	_ =	swait.ge [sflag:s22], s20  }
0xa5: {  	s4 =	ssub.s32 $0x0, s20;
	[sflag:s22] =	ssyncset.done $0x0  }
0xa6: {  	[sflag:s22] =	ssyncadd.s32 s4;
	_ =	sdelay $0x1  }
0xa7: {  	s23 =	simm.s32 $0x1B8B  }
0xa8: {  	_ =	swait.ge [sflag:s23], $0x1  }
0xa9: {  	[sflag:s23] =	ssyncset.done $0x0  }
0xaa: {  	s25 =	simm.s32 $0x1B8E;
	s24 =	sld [smem:$0x3FFE];
	[sflag:s23] =	ssyncadd.s32 $0xFFFFFFFF  }
0xab: {  	s26 =	simm.s32 $execute0_lowered;
	[smem:$0x3FD2] =	sst s25  }
0xac: {  	s5 =	sshll.u32 s26, $0x1;
	_ =	strace $0x80000046;
	[dreg:$0x1] =	wrdreg $0xFFFFFFFF  }
0xad: {  	s28 =	simm.s32 $_size_execute0_lowered;
	s3 =	sadd.s32 s3, s5;
	[dreg:$0x0] =	wrdreg $0x0  }
0xae: {  	s5 =	sshll.u32 s28, $0x1;
	[dreg:$0x2] =	wrdreg s3  }
0xaf: {  	[dreg:$0x3] =	wrdreg s5  }
0xb0: {  	[dreg:$0x4] =	wrdreg $0xC0  }
0xb1: {  	_ =	task [dreg:s7], $0x5FFFF  }
0xb2: {  	[dreg:$0x1] =	wrdreg $0xFFFFFFFF  }
0xb3: {  	[dreg:$0x0] =	wrdreg $0x60  }
0xb4: {  	[dreg:$0x2] =	wrdreg s24  }
0xb5: {  	[dreg:$0x3] =	wrdreg s16  }
0xb6: {  	[dreg:$0x4] =	wrdreg $0x9  }
0xb7: {  	_ =	task.clear_ibuf [dreg:s7], $0x5FFFF;
	_ =	strace $0x90000046  }
0xb8: {  	s29 =	simm.s32 $0x9;
	_ =	strace $0x80000048  }
0xb9: {  	_ =	swait.ge [sflag:s29], $0x1  }
0xba: {  	[sflag:s29] =	ssyncadd.s32 $0xFFFFFFFF  }
0xbb: {  	_ =	strace $0x90000048  }
0xbc: {  	_ =	sfence  }
0xbd: {  	s30 =	sld [smem:$0x0];
	_ =	sdelay $0x2  }
0xbe: {  	s31 =	sshll.u32 s1, $0xD;
	s1 =	sshrl.u32 s1, $0x2  }
0xbf: {  	s3 =	sand.u32 $0x4000, s31;
	s1 =	sadd.s32 s1, s30  }
0xc0: {  	s0 =	sor.u32 s3, s0;
	s1 =	sshll.u32 s1, $0x11  }
0xc1: {  	s0 =	sor.u32 s1, s0  }
0xc2: {  	s0 =	sadd.s32 $0x8F2B, s0  }
0xc3: {  	[sflag:s0] =	ssyncadd.remote.s32 $0x1  }
0xc4: {  	_ =	sfence.sel $0xFFFF  }
0xc5: {  	[dreg:$0x0] =	wrdreg $0xFFFFFFFF;
	(pc) =	sbr.abs _section_cstart, $3  }
0xc6: {  	[dreg:$0x1] =	wrdreg $0xFFFFFFFF  }
0xc7: {  	_ =	task.clear_ibuf [dreg:s7], $0x2FFFF;
	_ =	strace $0x9FFFFFFF  }
0xc8: {  	(tm) =	ssettm $0x7FFFFFFF  }
0xc9: {  	_ =	shalt  }
tec
execute0_lowered:
.L_overlay_start_1:
0x0: {  	(tag) =	ssettag $0x1  }
0x1: {  	s0 =	rddreg [dreg:$0x0]  }
0x2: {  	s3 =	rddreg [dreg:$0x1];
	s4 =	srdreg.scid  }
0x3: {  	s1 =	stileid.u32;
	s2 =	simm.s32 $0x0;
	s23 =	simm.s32 $0x3  }
0x4: {  	s22 =	simm.s32 $0x80;
	s21 =	simm.s32 $0x400;
	s20 =	simm.s32 $0x2400  }
0x5: {  	s24 =	simm.s32 $0x100;
	s19 =	simm.s32 $0x4400;
	s25 =	simm.s32 $0x180  }
0x6: {  	s18 =	simm.s32 $0x6400;
	s26 =	simm.s32 $0x200;
	s17 =	simm.s32 $0x8400  }
0x7: {  	s28 =	simm.s32 $0x280;
	s14 =	simm.s32 $0xA400;
	s29 =	simm.s32 $0x300  }
0x8: {  	p0 =	por $0x0, $0x0;
	s4 =	sand.u32 $0x1, s4;
	s5 =	sshll.u32 s1, $0x1  }
0x9: {  	s30 =	simm.s32 $0x380;
	s5 =	sor.u32 s4, s5;
	s4 =	ssub.s32 $0x2, s4  }
0xa: {  	[smem:$0x7FF] =	sst s2;
	s10 =	sadd.s32 $0x1000, s0;
	s15 =	sshrl.u32 s4, $0x1  }
0xb: {  	_ =	strace $0x80000047;
	s6 =	sshll.u32 s5, $0x7;
	s12 =	ssub.s32 s4, s15  }
0xc: {  	s5 =	sshll.u32 s5, $0xD;
	s0 =	sadd.s32 s6, s0;
	s16 =	smax.u32 s12, $0x1  }
0xd: {  	s13 =	sadd.s32 s3, s5;
	s15 =	simm.s32 $0xC400;
	p1 =	sne.s32 s16, $0x1  }
.Ltmp0:
0xe: {  	s3 =	simm.s32 $0x2;
	s0 =	sadd.s32 $0x11000, s0;
	(pc) =	sbr.rel @!p1 .LBB2_3-.Ltmp0, $4  }
0xf: {  	s11 =	sadd.s32 $0x400, s13;
	s9 =	sadd.s32 $0x800, s13;
	s8 =	sadd.s32 $0xC00, s13  }
0x10: {  	s7 =	sadd.s32 $0x1000, s13;
	s6 =	sadd.s32 $0x1400, s13;
	s5 =	sadd.s32 $0x1800, s13  }
0x11: {  	s4 =	sadd.s32 $0x1C00, s13;
	s12 =	simm.s32 $0xE400;
	[dreg:$0x3] =	wrdreg s0  }
0x12: {  	s31 =	sadd.s32 $0xFFFFFFFF, s16;
	s16 =	simm.s32 $0x1;
	s0 =	rddreg [dreg:$0x3]  }
0x13: {  	[tilespmem:s2], [sflag:$0x3] =	stream.linear.gather [hbm4b:s0+s2], $0x400, $0x38;
	[tilespmem:$0x10400] =	vst v63  }
0x14: {  	_ =	swait.ge [sflag:s23], $0x400  }
0x15: {  	[sflag:s23] =	ssyncset.done $0x0  }
0x16: {  	[sflag:s23] =	ssyncadd.s32 $0xFFFFFC00  }
0x17: {  	[tilespmem:s21], [sflag:$0x1] =	stream.indirect.gather [hbm4b:s10+s22], $0x40, s2, s22, $0xb8;
	[tilespmem:$0x10400] =	vst v63  }
0x18: {  	_ = 	snop  }
0x19: {  	[tilespmem:s20], [sflag:$0x1] =	stream.indirect.gather [hbm4b:s10+s22], $0x40, s22, s22, $0xb8;
	[tilespmem:$0x10400] =	vst v63  }
0x1a: {  	_ = 	snop  }
0x1b: {  	[tilespmem:s19], [sflag:$0x1] =	stream.indirect.gather [hbm4b:s10+s22], $0x40, s24, s22, $0xb8;
	[tilespmem:$0x10400] =	vst v63  }
0x1c: {  	_ = 	snop  }
0x1d: {  	[tilespmem:s18], [sflag:$0x1] =	stream.indirect.gather [hbm4b:s10+s22], $0x40, s25, s22, $0xb8;
	[tilespmem:$0x10400] =	vst v63  }
0x1e: {  	_ = 	snop  }
0x1f: {  	[tilespmem:s17], [sflag:$0x1] =	stream.indirect.gather [hbm4b:s10+s22], $0x40, s26, s22, $0xb8;
	[tilespmem:$0x10400] =	vst v63  }
0x20: {  	_ = 	snop  }
0x21: {  	[tilespmem:s14], [sflag:$0x1] =	stream.indirect.gather [hbm4b:s10+s22], $0x40, s28, s22, $0xb8;
	[tilespmem:$0x10400] =	vst v63  }
0x22: {  	_ = 	snop  }
0x23: {  	[tilespmem:s15], [sflag:$0x1] =	stream.indirect.gather [hbm4b:s10+s22], $0x40, s29, s22, $0xb8;
	[tilespmem:$0x10400] =	vst v63  }
0x24: {  	_ = 	snop  }
0x25: {  	[tilespmem:s12], [sflag:$0x1] =	stream.indirect.gather [hbm4b:s10+s22], $0x40, s30, s22, $0xb8;
	[tilespmem:$0x10400] =	vst v63  }
0x26: {  	_ =	swait.ge [sflag:s16], $0x2000  }
0x27: {  	[sflag:s16] =	ssyncset.done $0x0  }
0x28: {  	[sflag:s16] =	ssyncadd.s32 $0xFFFFE000  }
0x29: {  	[hbm4b:s13+s2] =	stream.linear.scatter [tilespmem:s21], [sflag:$0x2], $0x2000, $0x38;
	[tilespmem:$0x10400] =	vst v63  }
0x2a: {  	_ =	swait.ge [sflag:s16], $0x2000  }
0x2b: {  	[sflag:s16] =	ssyncset.done $0x0  }
0x2c: {  	[sflag:s16] =	ssyncadd.s32 $0xFFFFE000  }
0x2d: {  	[hbm4b:s11+s2] =	stream.linear.scatter [tilespmem:s20], [sflag:$0x2], $0x2000, $0x38;
	[tilespmem:$0x10400] =	vst v63  }
0x2e: {  	_ =	swait.ge [sflag:s16], $0x2000  }
0x2f: {  	[sflag:s16] =	ssyncset.done $0x0  }
0x30: {  	[sflag:s16] =	ssyncadd.s32 $0xFFFFE000  }
0x31: {  	[hbm4b:s9+s2] =	stream.linear.scatter [tilespmem:s19], [sflag:$0x2], $0x2000, $0x38;
	[tilespmem:$0x10400] =	vst v63  }
0x32: {  	_ =	swait.ge [sflag:s16], $0x2000  }
0x33: {  	[sflag:s16] =	ssyncset.done $0x0  }
0x34: {  	[sflag:s16] =	ssyncadd.s32 $0xFFFFE000  }
0x35: {  	[hbm4b:s8+s2] =	stream.linear.scatter [tilespmem:s18], [sflag:$0x2], $0x2000, $0x38;
	[tilespmem:$0x10400] =	vst v63  }
0x36: {  	_ =	swait.ge [sflag:s16], $0x2000  }
0x37: {  	[sflag:s16] =	ssyncset.done $0x0  }
0x38: {  	[sflag:s16] =	ssyncadd.s32 $0xFFFFE000  }
0x39: {  	[hbm4b:s7+s2] =	stream.linear.scatter [tilespmem:s17], [sflag:$0x2], $0x2000, $0x38;
	[tilespmem:$0x10400] =	vst v63  }
0x3a: {  	_ =	swait.ge [sflag:s16], $0x2000  }
0x3b: {  	[sflag:s16] =	ssyncset.done $0x0  }
0x3c: {  	[sflag:s16] =	ssyncadd.s32 $0xFFFFE000  }
0x3d: {  	[hbm4b:s6+s2] =	stream.linear.scatter [tilespmem:s14], [sflag:$0x2], $0x2000, $0x38;
	[tilespmem:$0x10400] =	vst v63  }
0x3e: {  	_ =	swait.ge [sflag:s16], $0x2000  }
0x3f: {  	[sflag:s16] =	ssyncset.done $0x0  }
0x40: {  	[sflag:s16] =	ssyncadd.s32 $0xFFFFE000  }
0x41: {  	[hbm4b:s5+s2] =	stream.linear.scatter [tilespmem:s15], [sflag:$0x2], $0x2000, $0x38;
	[tilespmem:$0x10400] =	vst v63  }
0x42: {  	_ =	swait.ge [sflag:s16], $0x2000  }
0x43: {  	[sflag:s16] =	ssyncset.done $0x0  }
0x44: {  	[sflag:s16] =	ssyncadd.s32 $0xFFFFE000  }
0x45: {  	[hbm4b:s4+s2] =	stream.linear.scatter [tilespmem:s12], [sflag:$0x2], $0x2000, $0x38;
	[tilespmem:$0x10400] =	vst v63  }
0x46: {  	_ =	swait.ge [sflag:s3], $0x2000  }
0x47: {  	[sflag:s3] =	ssyncset.done $0x0  }
0x48: {  	[sflag:s3] =	ssyncadd.s32 $0xFFFFE000  }
0x49: {  	_ =	swait.ge [sflag:s3], $0x2000  }
0x4a: {  	[sflag:s3] =	ssyncset.done $0x0  }
0x4b: {  	[sflag:s3] =	ssyncadd.s32 $0xFFFFE000  }
0x4c: {  	_ =	swait.ge [sflag:s3], $0x2000  }
0x4d: {  	[sflag:s3] =	ssyncset.done $0x0  }
0x4e: {  	[sflag:s3] =	ssyncadd.s32 $0xFFFFE000  }
0x4f: {  	_ =	swait.ge [sflag:s3], $0x2000  }
0x50: {  	[sflag:s3] =	ssyncset.done $0x0  }
0x51: {  	[sflag:s3] =	ssyncadd.s32 $0xFFFFE000  }
0x52: {  	_ =	swait.ge [sflag:s3], $0x2000  }
0x53: {  	[sflag:s3] =	ssyncset.done $0x0  }
0x54: {  	[sflag:s3] =	ssyncadd.s32 $0xFFFFE000  }
0x55: {  	_ =	swait.ge [sflag:s3], $0x2000  }
0x56: {  	[sflag:s3] =	ssyncset.done $0x0  }
0x57: {  	p1 =	sne.s32 s31, $0x1;
	[sflag:s3] =	ssyncadd.s32 $0xFFFFE000  }
.Ltmp1:
0x58: {  	_ =	swait.ge [sflag:s3], $0x2000;
	(pc) =	sbr.rel @!p1 .LBB2_3-.Ltmp1, $4  }
0x59: {  	[sflag:s3] =	ssyncset.done $0x0  }
0x5a: {  	[sflag:s3] =	ssyncadd.s32 $0xFFFFE000  }
0x5b: {  	s31 =	sadd.s32 $0xFFFFFFFF, s31;
	_ =	swait.ge [sflag:s3], $0x2000  }
0x5c: {  	p0 =	por $0x1, $0x1;
	s0 =	rddreg [dreg:$0x3];
	[sflag:s3] =	ssyncset.done $0x0  }
.LBB2_2:
0x5d: {  	[sflag:s3] =	ssyncadd.s32 $0xFFFFE000  }
0x5e: {  	[tilespmem:s2], [sflag:$0x3] =	stream.linear.gather [hbm4b:s0+s2], $0x400, $0x38;
	[tilespmem:$0x10400] =	vst v63  }
0x5f: {  	_ =	swait.ge [sflag:s23], $0x400  }
0x60: {  	[sflag:s23] =	ssyncset.done $0x0  }
0x61: {  	[sflag:s23] =	ssyncadd.s32 $0xFFFFFC00  }
0x62: {  	[tilespmem:s21], [sflag:$0x1] =	stream.indirect.gather [hbm4b:s10+s22], $0x40, s2, s22, $0xb8;
	[tilespmem:$0x10400] =	vst v63  }
0x63: {  	_ = 	snop  }
0x64: {  	[tilespmem:s20], [sflag:$0x1] =	stream.indirect.gather [hbm4b:s10+s22], $0x40, s22, s22, $0xb8;
	[tilespmem:$0x10400] =	vst v63  }
0x65: {  	_ = 	snop  }
0x66: {  	[tilespmem:s19], [sflag:$0x1] =	stream.indirect.gather [hbm4b:s10+s22], $0x40, s24, s22, $0xb8;
	[tilespmem:$0x10400] =	vst v63  }
0x67: {  	_ = 	snop  }
0x68: {  	[tilespmem:s18], [sflag:$0x1] =	stream.indirect.gather [hbm4b:s10+s22], $0x40, s25, s22, $0xb8;
	[tilespmem:$0x10400] =	vst v63  }
0x69: {  	_ = 	snop  }
0x6a: {  	[tilespmem:s17], [sflag:$0x1] =	stream.indirect.gather [hbm4b:s10+s22], $0x40, s26, s22, $0xb8;
	[tilespmem:$0x10400] =	vst v63  }
0x6b: {  	_ = 	snop  }
0x6c: {  	[tilespmem:s14], [sflag:$0x1] =	stream.indirect.gather [hbm4b:s10+s22], $0x40, s28, s22, $0xb8;
	[tilespmem:$0x10400] =	vst v63  }
0x6d: {  	_ = 	snop  }
0x6e: {  	[tilespmem:s15], [sflag:$0x1] =	stream.indirect.gather [hbm4b:s10+s22], $0x40, s29, s22, $0xb8;
	[tilespmem:$0x10400] =	vst v63  }
0x6f: {  	_ = 	snop  }
0x70: {  	[tilespmem:s12], [sflag:$0x1] =	stream.indirect.gather [hbm4b:s10+s22], $0x40, s30, s22, $0xb8;
	[tilespmem:$0x10400] =	vst v63  }
0x71: {  	_ =	swait.ge [sflag:s16], $0x2000  }
0x72: {  	[sflag:s16] =	ssyncset.done $0x0  }
0x73: {  	[sflag:s16] =	ssyncadd.s32 $0xFFFFE000  }
0x74: {  	[hbm4b:s13+s2] =	stream.linear.scatter [tilespmem:s21], [sflag:$0x2], $0x2000, $0x38;
	[tilespmem:$0x10400] =	vst v63  }
0x75: {  	_ =	swait.ge [sflag:s16], $0x2000  }
0x76: {  	[sflag:s16] =	ssyncset.done $0x0  }
0x77: {  	[sflag:s16] =	ssyncadd.s32 $0xFFFFE000  }
0x78: {  	[hbm4b:s11+s2] =	stream.linear.scatter [tilespmem:s20], [sflag:$0x2], $0x2000, $0x38;
	[tilespmem:$0x10400] =	vst v63  }
0x79: {  	_ =	swait.ge [sflag:s16], $0x2000  }
0x7a: {  	[sflag:s16] =	ssyncset.done $0x0  }
0x7b: {  	[sflag:s16] =	ssyncadd.s32 $0xFFFFE000  }
0x7c: {  	[hbm4b:s9+s2] =	stream.linear.scatter [tilespmem:s19], [sflag:$0x2], $0x2000, $0x38;
	[tilespmem:$0x10400] =	vst v63  }
0x7d: {  	_ =	swait.ge [sflag:s16], $0x2000  }
0x7e: {  	[sflag:s16] =	ssyncset.done $0x0  }
0x7f: {  	[sflag:s16] =	ssyncadd.s32 $0xFFFFE000  }
0x80: {  	[hbm4b:s8+s2] =	stream.linear.scatter [tilespmem:s18], [sflag:$0x2], $0x2000, $0x38;
	[tilespmem:$0x10400] =	vst v63  }
0x81: {  	_ =	swait.ge [sflag:s16], $0x2000  }
0x82: {  	[sflag:s16] =	ssyncset.done $0x0  }
0x83: {  	[sflag:s16] =	ssyncadd.s32 $0xFFFFE000  }
0x84: {  	[hbm4b:s7+s2] =	stream.linear.scatter [tilespmem:s17], [sflag:$0x2], $0x2000, $0x38;
	[tilespmem:$0x10400] =	vst v63  }
0x85: {  	_ =	swait.ge [sflag:s16], $0x2000  }
0x86: {  	[sflag:s16] =	ssyncset.done $0x0  }
0x87: {  	[sflag:s16] =	ssyncadd.s32 $0xFFFFE000  }
0x88: {  	[hbm4b:s6+s2] =	stream.linear.scatter [tilespmem:s14], [sflag:$0x2], $0x2000, $0x38;
	[tilespmem:$0x10400] =	vst v63  }
0x89: {  	_ =	swait.ge [sflag:s16], $0x2000  }
0x8a: {  	[sflag:s16] =	ssyncset.done $0x0  }
0x8b: {  	[sflag:s16] =	ssyncadd.s32 $0xFFFFE000  }
0x8c: {  	[hbm4b:s5+s2] =	stream.linear.scatter [tilespmem:s15], [sflag:$0x2], $0x2000, $0x38;
	[tilespmem:$0x10400] =	vst v63  }
0x8d: {  	_ =	swait.ge [sflag:s16], $0x2000  }
0x8e: {  	[sflag:s16] =	ssyncset.done $0x0  }
0x8f: {  	[sflag:s16] =	ssyncadd.s32 $0xFFFFE000  }
0x90: {  	[hbm4b:s4+s2] =	stream.linear.scatter [tilespmem:s12], [sflag:$0x2], $0x2000, $0x38;
	[tilespmem:$0x10400] =	vst v63  }
0x91: {  	_ =	swait.ge [sflag:s3], $0x2000  }
0x92: {  	[sflag:s3] =	ssyncset.done $0x0  }
0x93: {  	[sflag:s3] =	ssyncadd.s32 $0xFFFFE000  }
0x94: {  	_ =	swait.ge [sflag:s3], $0x2000  }
0x95: {  	[sflag:s3] =	ssyncset.done $0x0  }
0x96: {  	[sflag:s3] =	ssyncadd.s32 $0xFFFFE000  }
0x97: {  	_ =	swait.ge [sflag:s3], $0x2000  }
0x98: {  	[sflag:s3] =	ssyncset.done $0x0  }
0x99: {  	[sflag:s3] =	ssyncadd.s32 $0xFFFFE000  }
0x9a: {  	_ =	swait.ge [sflag:s3], $0x2000  }
0x9b: {  	[sflag:s3] =	ssyncset.done $0x0  }
0x9c: {  	[sflag:s3] =	ssyncadd.s32 $0xFFFFE000  }
0x9d: {  	_ =	swait.ge [sflag:s3], $0x2000  }
0x9e: {  	[sflag:s3] =	ssyncset.done $0x0  }
0x9f: {  	[sflag:s3] =	ssyncadd.s32 $0xFFFFE000  }
0xa0: {  	_ =	swait.ge [sflag:s3], $0x2000  }
0xa1: {  	[sflag:s3] =	ssyncset.done $0x0  }
0xa2: {  	p1 =	sne.s32 s31, $0x1;
	[sflag:s3] =	ssyncadd.s32 $0xFFFFE000  }
.Ltmp2:
0xa3: {  	_ =	swait.ge [sflag:s3], $0x2000;
	(pc) =	sbr.rel @p1 .LBB2_2-.Ltmp2, $4  }
0xa4: {  	[sflag:s3] =	ssyncset.done $0x0  }
0xa5: {  	[sflag:s3] =	ssyncadd.s32 $0xFFFFE000  }
0xa6: {  	_ =	swait.ge [sflag:s3], $0x2000  }
0xa7: {  	s31 =	sadd.s32 $0xFFFFFFFF, s31;
	s0 =	rddreg [dreg:$0x3];
	[sflag:s3] =	ssyncset.done $0x0  }
.LBB2_3:
0xa8: {  	[sflag:s3] =	ssyncadd.s32 @p0 $0xFFFFE000  }
0xa9: {  	[tilespmem:s2], [sflag:$0x3] =	stream.linear.gather [hbm4b:s0+s2], $0x400, $0x38;
	[tilespmem:$0x10400] =	vst v63  }
0xaa: {  	_ =	swait.ge [sflag:s23], $0x400  }
0xab: {  	[sflag:s23] =	ssyncset.done $0x0  }
0xac: {  	[sflag:s23] =	ssyncadd.s32 $0xFFFFFC00  }
0xad: {  	[tilespmem:s21], [sflag:$0x1] =	stream.indirect.gather [hbm4b:s10+s22], $0x40, s2, s22, $0xb8;
	[tilespmem:$0x10400] =	vst v63  }
0xae: {  	_ = 	snop  }
0xaf: {  	[tilespmem:s20], [sflag:$0x1] =	stream.indirect.gather [hbm4b:s10+s22], $0x40, s22, s22, $0xb8;
	[tilespmem:$0x10400] =	vst v63  }
0xb0: {  	_ = 	snop  }
0xb1: {  	[tilespmem:s19], [sflag:$0x1] =	stream.indirect.gather [hbm4b:s10+s22], $0x40, s24, s22, $0xb8;
	[tilespmem:$0x10400] =	vst v63  }
0xb2: {  	_ = 	snop  }
0xb3: {  	[tilespmem:s18], [sflag:$0x1] =	stream.indirect.gather [hbm4b:s10+s22], $0x40, s25, s22, $0xb8;
	[tilespmem:$0x10400] =	vst v63  }
0xb4: {  	_ = 	snop  }
0xb5: {  	[tilespmem:s17], [sflag:$0x1] =	stream.indirect.gather [hbm4b:s10+s22], $0x40, s26, s22, $0xb8;
	[tilespmem:$0x10400] =	vst v63  }
0xb6: {  	_ = 	snop  }
0xb7: {  	[tilespmem:s14], [sflag:$0x1] =	stream.indirect.gather [hbm4b:s10+s22], $0x40, s28, s22, $0xb8;
	[tilespmem:$0x10400] =	vst v63  }
0xb8: {  	_ = 	snop  }
0xb9: {  	[tilespmem:s15], [sflag:$0x1] =	stream.indirect.gather [hbm4b:s10+s22], $0x40, s29, s22, $0xb8;
	[tilespmem:$0x10400] =	vst v63  }
0xba: {  	_ = 	snop  }
0xbb: {  	[tilespmem:s12], [sflag:$0x1] =	stream.indirect.gather [hbm4b:s10+s22], $0x40, s30, s22, $0xb8;
	[tilespmem:$0x10400] =	vst v63  }
0xbc: {  	_ =	swait.ge [sflag:s16], $0x2000  }
0xbd: {  	[sflag:s16] =	ssyncset.done $0x0  }
0xbe: {  	[sflag:s16] =	ssyncadd.s32 $0xFFFFE000  }
0xbf: {  	[hbm4b:s13+s2] =	stream.linear.scatter [tilespmem:s21], [sflag:$0x2], $0x2000, $0x38;
	[tilespmem:$0x10400] =	vst v63  }
0xc0: {  	_ =	swait.ge [sflag:s16], $0x2000  }
0xc1: {  	[sflag:s16] =	ssyncset.done $0x0  }
0xc2: {  	[sflag:s16] =	ssyncadd.s32 $0xFFFFE000  }
0xc3: {  	[hbm4b:s11+s2] =	stream.linear.scatter [tilespmem:s20], [sflag:$0x2], $0x2000, $0x38;
	[tilespmem:$0x10400] =	vst v63  }
0xc4: {  	_ =	swait.ge [sflag:s16], $0x2000  }
0xc5: {  	[sflag:s16] =	ssyncset.done $0x0  }
0xc6: {  	[sflag:s16] =	ssyncadd.s32 $0xFFFFE000  }
0xc7: {  	[hbm4b:s9+s2] =	stream.linear.scatter [tilespmem:s19], [sflag:$0x2], $0x2000, $0x38;
	[tilespmem:$0x10400] =	vst v63  }
0xc8: {  	_ =	swait.ge [sflag:s16], $0x2000  }
0xc9: {  	[sflag:s16] =	ssyncset.done $0x0  }
0xca: {  	[sflag:s16] =	ssyncadd.s32 $0xFFFFE000  }
0xcb: {  	[hbm4b:s8+s2] =	stream.linear.scatter [tilespmem:s18], [sflag:$0x2], $0x2000, $0x38;
	[tilespmem:$0x10400] =	vst v63  }
0xcc: {  	_ =	swait.ge [sflag:s16], $0x2000  }
0xcd: {  	[sflag:s16] =	ssyncset.done $0x0  }
0xce: {  	[sflag:s16] =	ssyncadd.s32 $0xFFFFE000  }
0xcf: {  	[hbm4b:s7+s2] =	stream.linear.scatter [tilespmem:s17], [sflag:$0x2], $0x2000, $0x38;
	[tilespmem:$0x10400] =	vst v63  }
0xd0: {  	_ =	swait.ge [sflag:s16], $0x2000  }
0xd1: {  	[sflag:s16] =	ssyncset.done $0x0  }
0xd2: {  	[sflag:s16] =	ssyncadd.s32 $0xFFFFE000  }
0xd3: {  	[hbm4b:s6+s2] =	stream.linear.scatter [tilespmem:s14], [sflag:$0x2], $0x2000, $0x38;
	[tilespmem:$0x10400] =	vst v63  }
0xd4: {  	_ =	swait.ge [sflag:s16], $0x2000  }
0xd5: {  	[sflag:s16] =	ssyncset.done $0x0  }
0xd6: {  	[sflag:s16] =	ssyncadd.s32 $0xFFFFE000  }
0xd7: {  	[hbm4b:s5+s2] =	stream.linear.scatter [tilespmem:s15], [sflag:$0x2], $0x2000, $0x38;
	[tilespmem:$0x10400] =	vst v63  }
0xd8: {  	_ =	swait.ge [sflag:s16], $0x2000  }
0xd9: {  	[sflag:s16] =	ssyncset.done $0x0  }
0xda: {  	[sflag:s16] =	ssyncadd.s32 $0xFFFFE000  }
0xdb: {  	[hbm4b:s4+s2] =	stream.linear.scatter [tilespmem:s12], [sflag:$0x2], $0x2000, $0x38;
	[tilespmem:$0x10400] =	vst v63  }
0xdc: {  	_ =	swait.ge [sflag:s3], $0x2000  }
0xdd: {  	[sflag:s3] =	ssyncset.done $0x0  }
0xde: {  	[sflag:s3] =	ssyncadd.s32 $0xFFFFE000  }
0xdf: {  	_ =	swait.ge [sflag:s3], $0x2000  }
0xe0: {  	[sflag:s3] =	ssyncset.done $0x0  }
0xe1: {  	[sflag:s3] =	ssyncadd.s32 $0xFFFFE000  }
0xe2: {  	_ =	swait.ge [sflag:s3], $0x2000  }
0xe3: {  	[sflag:s3] =	ssyncset.done $0x0  }
0xe4: {  	[sflag:s3] =	ssyncadd.s32 $0xFFFFE000  }
0xe5: {  	_ =	swait.ge [sflag:s3], $0x2000  }
0xe6: {  	[sflag:s3] =	ssyncset.done $0x0  }
0xe7: {  	[sflag:s3] =	ssyncadd.s32 $0xFFFFE000  }
0xe8: {  	_ =	swait.ge [sflag:s3], $0x2000  }
0xe9: {  	[sflag:s3] =	ssyncset.done $0x0  }
0xea: {  	[sflag:s3] =	ssyncadd.s32 $0xFFFFE000  }
0xeb: {  	_ =	swait.ge [sflag:s3], $0x2000  }
0xec: {  	[sflag:s3] =	ssyncset.done $0x0  }
0xed: {  	[sflag:s3] =	ssyncadd.s32 $0xFFFFE000  }
0xee: {  	_ =	swait.ge [sflag:s3], $0x2000  }
0xef: {  	[sflag:s3] =	ssyncset.done $0x0  }
0xf0: {  	[sflag:s3] =	ssyncadd.s32 $0xFFFFE000  }
0xf1: {  	_ =	swait.ge [sflag:s3], $0x2000  }
0xf2: {  	[sflag:s3] =	ssyncset.done $0x0  }
0xf3: {  	[sflag:s3] =	ssyncadd.s32 $0xFFFFE000  }
0xf4: {  	_ =	sfence.sel $0x180000  }
0xf5: {  	[bflag:$0x0] =	sbarrier.arrive $0xFFFF  }
0xf6: {  	_ =	strace $0x90000047  }
0xf7: {  	[bflag:$0x2] =	sbarrier.arrive $0xFFFF  }
0xf8: {  	p0 =	sne.s32 s1, $0x0;
	s0 =	rddreg [dreg:$0x2]  }
0xf9: {  	s0 =	sadd.s32 @!p0 $0x100000, s0  }
0xfa: {  	[sflag:s0] =	ssyncadd.tile.s32 @!p0 $0x1;
	_ =	shalt  }
.Lfunc_end2:
_tile_overlayer_lowered:
.L_overlay_start_2:
0xfb: {  	(tag) =	ssettag $0x2  }
0xfc: {  	s0 =	rddreg [dreg:$0x0];
	s2 =	stileid.u32  }
0xfd: {  	s1 =	rddreg [dreg:$0x1];
	p0 =	sne.s32 s2, $0x0  }
0xfe: {  	s3 =	rddreg [dreg:$0x2];
	[bflag:$0x3] =	sbarrier.arrive $0xFFFF;
	s2 =	simm.s32 @!p0 $0x1C03  }
0xff: {  	[timem:s3], [sflag:s2] =	dma.local @!p0 [hbm:s0], s1  }
0x100: {  	s0 =	simm.s32 @!p0 $0x3  }
0x101: {  	_ =	swait.ge @!p0 [sflag:s0], s1  }
0x102: {  	s1 =	ssub.s32 @!p0 $0x0, s1;
	[sflag:s0] =	ssyncset.done @!p0 $0x0  }
0x103: {  	[sflag:s0] =	ssyncadd.s32 @!p0 s1  }
0x104: {  	[bflag:$0x3] =	sbarrier.arrive $0xFFFF  }
0x105: {  	_ =	shalt  }

</sc_bundles>
